<compile_context>
chip_gen: v7x
topology: tpu7x:2x2x1
jax: 0.10.2.dev20260603
libtpu: 0.0.44.dev20260713+nightly
codegen_flags: <defaults>
</compile_context>

<pallas_src>
import functools

import jax
import jax.numpy as jnp
from jax import lax
from jax.experimental import pallas as pl
from jax.experimental.pallas import tpu as pltpu
from jax.experimental.pallas import tpu_sc as plsc

VOCAB = 10000
DIM = 128
N_OUT = 128
B = 4096
L = 50

NC = 2
NS = 16
NW = NC * NS
TOKENS = B * L
BATCHES_PER_W = B // NW
CB = 4
NCH = BATCHES_PER_W // CB
NBUF = 4

ROWS_BLK = 1000


def _fold_body(emb_ref, w_ref, b_ref, out_ref):
    out_ref[...] = lax.dot_general(
        emb_ref[...], w_ref[...],
        dimension_numbers=(((1,), (1,)), ((), ())),
        preferred_element_type=jnp.float32,
    ) + b_ref[...]


def _fold_table(emb, W, b2):
    return pl.pallas_call(
        _fold_body,
        grid=(VOCAB // ROWS_BLK,),
        in_specs=[
            pl.BlockSpec((ROWS_BLK, DIM), lambda i: (i, 0)),
            pl.BlockSpec((N_OUT, DIM), lambda i: (0, 0)),
            pl.BlockSpec((1, N_OUT), lambda i: (0, 0)),
        ],
        out_specs=pl.BlockSpec((ROWS_BLK, N_OUT), lambda i: (i, 0)),
        out_shape=jax.ShapeDtypeStruct((VOCAB, N_OUT), jnp.float32),
    )(emb, W, b2)


def _sc_body(t_hbm, x_hbm, out_hbm, idx_v, rows_v, gsems, osems):
    wid = lax.axis_index("s") * NC + lax.axis_index("c")
    base = wid * BATCHES_PER_W

    pltpu.sync_copy(x_hbm.at[wid], idx_v)

    def start_gathers(c, buf):
        for j in range(CB // 2):
            pltpu.async_copy(
                t_hbm.at[idx_v.at[c * (CB // 2) + j]],
                rows_v.at[buf].at[pl.ds(2 * L * j, 2 * L)],
                gsems.at[buf])

    def wait_gathers(c, buf):
        pltpu.make_async_copy(
            t_hbm.at[pl.ds(0, CB * L)], rows_v.at[buf],
            gsems.at[buf]).wait()

    def start_out(c, buf):
        pltpu.async_copy(
            rows_v.at[buf].reshape(CB, L, N_OUT),
            out_hbm.at[pl.ds(base + c * CB, CB)],
            osems.at[buf])

    def wait_out(c, buf):
        pltpu.make_async_copy(
            rows_v.at[buf].reshape(CB, L, N_OUT),
            out_hbm.at[pl.ds(base + c * CB, CB)],
            osems.at[buf]).wait()

    for b in range(NBUF):
        start_gathers(b, b)

    @pl.loop(0, NCH - NBUF, step=NBUF)
    def _group(g):
        for b in range(NBUF):
            wait_gathers(g + b, b)
            start_out(g + b, b)
        for b in range(NBUF):
            wait_out(g + b, b)
            start_gathers(g + b + NBUF, b)

    for b in range(NBUF):
        c = NCH - NBUF + b
        wait_gathers(c, b)
        start_out(c, b)
    for b in range(NBUF):
        wait_out(NCH - NBUF + b, b)


def _sc_gather(T, x3):
    mesh = plsc.VectorSubcoreMesh(
        core_axis_name="c", subcore_axis_name="s", num_cores=NC,
        num_subcores=NS)
    run = pl.kernel(
        _sc_body,
        out_type=jax.ShapeDtypeStruct((B, L, N_OUT), jnp.float32),
        mesh=mesh,
        scratch_types=[
            pltpu.VMEM((BATCHES_PER_W // 2, 2 * L), jnp.int32),
            pltpu.VMEM((NBUF, CB * L, N_OUT), jnp.float32),
            pltpu.SemaphoreType.DMA((NBUF,)),
            pltpu.SemaphoreType.DMA((NBUF,)),
        ],
        compiler_params=pltpu.CompilerParams(use_tc_tiling_on_sc=True),
    )
    return run(T, x3)


@jax.jit
def kernel(x, emb, W, b):
    T = _fold_table(emb, W, b.reshape(1, N_OUT))
    x3 = x.astype(jnp.int32).reshape(NW, BATCHES_PER_W // 2, 2 * L)
    return _sc_gather(T, x3)

# --- scband reference (transcript-rebuilt; emitter-appended) ---
"""Pipeline reference for scband-classifier-17789754540227 (READ-ONLY COPY).

The authoritative reference and input builder live on the scoring server;
editing this copy changes nothing except your own understanding.
"""

import jax, jax.numpy as jnp
import numpy as np

VOCAB = 10000
DIM = 128
N_OUT = 128

def setup_inputs(seed: int = 0) -> dict:
    key = jax.random.key(seed)
    k1, k2, k3, k4 = jax.random.split(key, 4)
    x = jax.random.randint(k1, (4096, 50), 0, VOCAB, dtype=jnp.int64 if jax.config.jax_enable_x64 else jnp.int32)
    emb = jax.random.normal(k2, (VOCAB, DIM), dtype=jnp.float32)
    W = jax.random.normal(k3, (N_OUT, DIM), dtype=jnp.float32) * (1.0 / np.sqrt(DIM))
    b = jax.random.normal(k4, (N_OUT,), dtype=jnp.float32) * 0.01
    return {"x": x, "emb": emb, "W": W, "b": b}

def reference(x, emb, W, b):
    # torch.nn.Embedding: gather rows from table
    h = jnp.take(emb, x, axis=0)            # [B, L, DIM]
    # torch.nn.Linear: h @ W.T + b
    out = jnp.einsum('bld,nd->bln', h, W) + b
    return out

if __name__ == "__main__":
    import jax
    _d = setup_inputs()
    print(jax.jit(kernel)(*tuple(_d.values())))

</pallas_src>

<mosaic_0001>
#map = affine_map<(d0, d1) -> (0, 0)>
#map1 = affine_map<(d0, d1) -> (0, 0, 0)>
module attributes {stable_mosaic.version = 14 : i64} {
  func.func @_sc_body(%arg0: i32, %arg1: i32, %arg2: memref<10000x128xf32, #tpu.memory_space<hbm>>, %arg3: memref<32x64x100xi32, #tpu.memory_space<hbm>>, %arg4: memref<4096x50x128xf32, #tpu.memory_space<hbm>>, %arg5: memref<64x100xi32, #tpu.memory_space<vmem>>, %arg6: memref<4x200x128xf32, #tpu.memory_space<vmem>>, %arg7: memref<4x!tpu.dma_semaphore, #tpu.memory_space<semaphore_mem>>, %arg8: memref<4x!tpu.dma_semaphore, #tpu.memory_space<semaphore_mem>>) attributes {dimension_semantics = [#tpu.dimension_semantics<core_parallel>, #tpu.dimension_semantics<subcore_parallel>], iteration_bounds = array<i64: 2, 16>, scalar_prefetch = 0 : i64, scratch_operands = 4 : i64, tpu.core_type = #tpu.core_type<sc_vector_subcore>, window_params = [{transform_indices = #map}, {transform_indices = #map1}, {transform_indices = #map1}]} {
    %mul3A = arith.constant 2 : i32
    %mul3A_0 = arith.muli %arg1, %mul3A : i32
    %add3A = arith.addi %mul3A_0, %arg0 : i32
    %mul3A_1 = arith.constant 128 : i32
    %mul3A_2 = arith.muli %add3A, %mul3A_1 : i32
    "tpu.region"() ({
      %run_scoped3A = tpu.sem_alloc : memref<!tpu.dma_semaphore, #tpu.memory_space<semaphore_mem>>
      %dma_start3A_397 = arith.constant 0 : i32
      %dma_start3A_398 = arith.constant 0 : i32
      %dma_start3A_399 = tpu.memref_slice %arg3[%add3A, %dma_start3A_397, %dma_start3A_398] : memref<32x64x100xi32, #tpu.memory_space<hbm>> -> memref<1x64x100xi32, #tpu.memory_space<hbm>>
      %dma_start3A_400 = tpu.memref_squeeze %dma_start3A_399 : memref<1x64x100xi32, #tpu.memory_space<hbm>> -> memref<64x100xi32, #tpu.memory_space<hbm>>
      %dma_start3A_401 = arith.constant 0 : i32
      %dma_start3A_402 = arith.constant 0 : i32
      %dma_start3A_403 = tpu.memref_slice %arg3[%add3A, %dma_start3A_401, %dma_start3A_402] : memref<32x64x100xi32, #tpu.memory_space<hbm>> -> memref<1x64x100xi32, #tpu.memory_space<hbm>>
      %dma_start3A_404 = tpu.memref_squeeze %dma_start3A_403 : memref<1x64x100xi32, #tpu.memory_space<hbm>> -> memref<64x100xi32, #tpu.memory_space<hbm>>
      tpu.enqueue_dma source(%dma_start3A_404 : memref<64x100xi32, #tpu.memory_space<hbm>>) target(%arg5 : memref<64x100xi32, #tpu.memory_space<vmem>>) target_semaphore(%run_scoped3A : memref<!tpu.dma_semaphore, #tpu.memory_space<semaphore_mem>>)
      %dma_wait3A_405 = arith.constant 0 : i32
      %dma_wait3A_406 = arith.constant 0 : i32
      %dma_wait3A_407 = tpu.memref_slice %arg3[%add3A, %dma_wait3A_405, %dma_wait3A_406] : memref<32x64x100xi32, #tpu.memory_space<hbm>> -> memref<1x64x100xi32, #tpu.memory_space<hbm>>
      %dma_wait3A_408 = tpu.memref_squeeze %dma_wait3A_407 : memref<1x64x100xi32, #tpu.memory_space<hbm>> -> memref<64x100xi32, #tpu.memory_space<hbm>>
      %dma_wait3A_409 = arith.constant 0 : i32
      %dma_wait3A_410 = arith.constant 0 : i32
      %dma_wait3A_411 = tpu.memref_slice %arg3[%add3A, %dma_wait3A_409, %dma_wait3A_410] : memref<32x64x100xi32, #tpu.memory_space<hbm>> -> memref<1x64x100xi32, #tpu.memory_space<hbm>>
      %dma_wait3A_412 = tpu.memref_squeeze %dma_wait3A_411 : memref<1x64x100xi32, #tpu.memory_space<hbm>> -> memref<64x100xi32, #tpu.memory_space<hbm>>
      tpu.wait_dma2 semaphore(%run_scoped3A : memref<!tpu.dma_semaphore, #tpu.memory_space<semaphore_mem>>) src(%dma_wait3A_412 : memref<64x100xi32, #tpu.memory_space<hbm>>) dst(%arg5 : memref<64x100xi32, #tpu.memory_space<vmem>>)
      tpu.yield
    }) : () -> ()
    %dma_start3A = arith.constant 0 : i32
    %dma_start3A_3 = arith.constant 0 : i32
    %dma_start3A_4 = arith.constant 0 : i32
    %dma_start3A_5 = arith.constant 0 : i32
    %dma_start3A_6 = arith.constant 0 : i32
    %dma_start3A_7 = tpu.memref_slice %arg6[%dma_start3A_3, %dma_start3A_5, %dma_start3A_6] : memref<4x200x128xf32, #tpu.memory_space<vmem>> -> memref<1x200x128xf32, #tpu.memory_space<vmem>>
    %dma_start3A_8 = tpu.memref_squeeze %dma_start3A_7 : memref<1x200x128xf32, #tpu.memory_space<vmem>> -> memref<200x128xf32, #tpu.memory_space<vmem>>
    %dma_start3A_9 = arith.constant 0 : i32
    %dma_start3A_10 = arith.constant 0 : i32
    %dma_start3A_11 = tpu.memref_slice %dma_start3A_8[%dma_start3A_9, %dma_start3A_10] : memref<200x128xf32, #tpu.memory_space<vmem>> -> memref<100x128xf32, #tpu.memory_space<vmem>>
    %dma_start3A_12 = arith.constant 0 : i32
    %dma_start3A_13 = tpu.memref_slice %arg5[%dma_start3A, %dma_start3A_12] : memref<64x100xi32, #tpu.memory_space<vmem>> -> memref<1x100xi32, #tpu.memory_space<vmem>>
    %dma_start3A_14 = tpu.memref_squeeze %dma_start3A_13 : memref<1x100xi32, #tpu.memory_space<vmem>> -> memref<100xi32, #tpu.memory_space<vmem>>
    %dma_start3A_15 = arith.constant 0 : i32
    %dma_start3A_16 = arith.constant 0 : i32
    %dma_start3A_17 = tpu.memref_slice %arg2[%dma_start3A_15, %dma_start3A_16] : memref<10000x128xf32, #tpu.memory_space<hbm>> -> memref<10000x128xf32, #tpu.memory_space<hbm>>
    %dma_start3A_18 = tpu.memref_slice %arg7[%dma_start3A_4] : memref<4x!tpu.dma_semaphore, #tpu.memory_space<semaphore_mem>> -> memref<1x!tpu.dma_semaphore, #tpu.memory_space<semaphore_mem>>
    %dma_start3A_19 = tpu.memref_squeeze %dma_start3A_18 : memref<1x!tpu.dma_semaphore, #tpu.memory_space<semaphore_mem>> -> memref<!tpu.dma_semaphore, #tpu.memory_space<semaphore_mem>>
    tpu.enqueue_indirect_dma source(%dma_start3A_17 : memref<10000x128xf32, #tpu.memory_space<hbm>>) target(%dma_start3A_11 : memref<100x128xf32, #tpu.memory_space<vmem>>) offsets(%dma_start3A_14 : memref<100xi32, #tpu.memory_space<vmem>>) semaphore(%dma_start3A_19 : memref<!tpu.dma_semaphore, #tpu.memory_space<semaphore_mem>>)
    %dma_start3A_20 = arith.constant 1 : i32
    %dma_start3A_21 = arith.constant 0 : i32
    %dma_start3A_22 = arith.constant 0 : i32
    %dma_start3A_23 = arith.constant 0 : i32
    %dma_start3A_24 = arith.constant 0 : i32
    %dma_start3A_25 = tpu.memref_slice %arg6[%dma_start3A_21, %dma_start3A_23, %dma_start3A_24] : memref<4x200x128xf32, #tpu.memory_space<vmem>> -> memref<1x200x128xf32, #tpu.memory_space<vmem>>
    %dma_start3A_26 = tpu.memref_squeeze %dma_start3A_25 : memref<1x200x128xf32, #tpu.memory_space<vmem>> -> memref<200x128xf32, #tpu.memory_space<vmem>>
    %dma_start3A_27 = arith.constant 100 : i32
    %dma_start3A_28 = arith.constant 0 : i32
    %dma_start3A_29 = tpu.memref_slice %dma_start3A_26[%dma_start3A_27, %dma_start3A_28] : memref<200x128xf32, #tpu.memory_space<vmem>> -> memref<100x128xf32, #tpu.memory_space<vmem>>
    %dma_start3A_30 = arith.constant 0 : i32
    %dma_start3A_31 = tpu.memref_slice %arg5[%dma_start3A_20, %dma_start3A_30] : memref<64x100xi32, #tpu.memory_space<vmem>> -> memref<1x100xi32, #tpu.memory_space<vmem>>
    %dma_start3A_32 = tpu.memref_squeeze %dma_start3A_31 : memref<1x100xi32, #tpu.memory_space<vmem>> -> memref<100xi32, #tpu.memory_space<vmem>>
    %dma_start3A_33 = arith.constant 0 : i32
    %dma_start3A_34 = arith.constant 0 : i32
    %dma_start3A_35 = tpu.memref_slice %arg2[%dma_start3A_33, %dma_start3A_34] : memref<10000x128xf32, #tpu.memory_space<hbm>> -> memref<10000x128xf32, #tpu.memory_space<hbm>>
    %dma_start3A_36 = tpu.memref_slice %arg7[%dma_start3A_22] : memref<4x!tpu.dma_semaphore, #tpu.memory_space<semaphore_mem>> -> memref<1x!tpu.dma_semaphore, #tpu.memory_space<semaphore_mem>>
    %dma_start3A_37 = tpu.memref_squeeze %dma_start3A_36 : memref<1x!tpu.dma_semaphore, #tpu.memory_space<semaphore_mem>> -> memref<!tpu.dma_semaphore, #tpu.memory_space<semaphore_mem>>
    tpu.enqueue_indirect_dma source(%dma_start3A_35 : memref<10000x128xf32, #tpu.memory_space<hbm>>) target(%dma_start3A_29 : memref<100x128xf32, #tpu.memory_space<vmem>>) offsets(%dma_start3A_32 : memref<100xi32, #tpu.memory_space<vmem>>) semaphore(%dma_start3A_37 : memref<!tpu.dma_semaphore, #tpu.memory_space<semaphore_mem>>)
    %dma_start3A_38 = arith.constant 2 : i32
    %dma_start3A_39 = arith.constant 1 : i32
    %dma_start3A_40 = arith.constant 1 : i32
    %dma_start3A_41 = arith.constant 0 : i32
    %dma_start3A_42 = arith.constant 0 : i32
    %dma_start3A_43 = tpu.memref_slice %arg6[%dma_start3A_39, %dma_start3A_41, %dma_start3A_42] : memref<4x200x128xf32, #tpu.memory_space<vmem>> -> memref<1x200x128xf32, #tpu.memory_space<vmem>>
    %dma_start3A_44 = tpu.memref_squeeze %dma_start3A_43 : memref<1x200x128xf32, #tpu.memory_space<vmem>> -> memref<200x128xf32, #tpu.memory_space<vmem>>
    %dma_start3A_45 = arith.constant 0 : i32
    %dma_start3A_46 = arith.constant 0 : i32
    %dma_start3A_47 = tpu.memref_slice %dma_start3A_44[%dma_start3A_45, %dma_start3A_46] : memref<200x128xf32, #tpu.memory_space<vmem>> -> memref<100x128xf32, #tpu.memory_space<vmem>>
    %dma_start3A_48 = arith.constant 0 : i32
    %dma_start3A_49 = tpu.memref_slice %arg5[%dma_start3A_38, %dma_start3A_48] : memref<64x100xi32, #tpu.memory_space<vmem>> -> memref<1x100xi32, #tpu.memory_space<vmem>>
    %dma_start3A_50 = tpu.memref_squeeze %dma_start3A_49 : memref<1x100xi32, #tpu.memory_space<vmem>> -> memref<100xi32, #tpu.memory_space<vmem>>
    %dma_start3A_51 = arith.constant 0 : i32
    %dma_start3A_52 = arith.constant 0 : i32
    %dma_start3A_53 = tpu.memref_slice %arg2[%dma_start3A_51, %dma_start3A_52] : memref<10000x128xf32, #tpu.memory_space<hbm>> -> memref<10000x128xf32, #tpu.memory_space<hbm>>
    %dma_start3A_54 = tpu.memref_slice %arg7[%dma_start3A_40] : memref<4x!tpu.dma_semaphore, #tpu.memory_space<semaphore_mem>> -> memref<1x!tpu.dma_semaphore, #tpu.memory_space<semaphore_mem>>
    %dma_start3A_55 = tpu.memref_squeeze %dma_start3A_54 : memref<1x!tpu.dma_semaphore, #tpu.memory_space<semaphore_mem>> -> memref<!tpu.dma_semaphore, #tpu.memory_space<semaphore_mem>>
    tpu.enqueue_indirect_dma source(%dma_start3A_53 : memref<10000x128xf32, #tpu.memory_space<hbm>>) target(%dma_start3A_47 : memref<100x128xf32, #tpu.memory_space<vmem>>) offsets(%dma_start3A_50 : memref<100xi32, #tpu.memory_space<vmem>>) semaphore(%dma_start3A_55 : memref<!tpu.dma_semaphore, #tpu.memory_space<semaphore_mem>>)
    %dma_start3A_56 = arith.constant 3 : i32
    %dma_start3A_57 = arith.constant 1 : i32
    %dma_start3A_58 = arith.constant 1 : i32
    %dma_start3A_59 = arith.constant 0 : i32
    %dma_start3A_60 = arith.constant 0 : i32
    %dma_start3A_61 = tpu.memref_slice %arg6[%dma_start3A_57, %dma_start3A_59, %dma_start3A_60] : memref<4x200x128xf32, #tpu.memory_space<vmem>> -> memref<1x200x128xf32, #tpu.memory_space<vmem>>
    %dma_start3A_62 = tpu.memref_squeeze %dma_start3A_61 : memref<1x200x128xf32, #tpu.memory_space<vmem>> -> memref<200x128xf32, #tpu.memory_space<vmem>>
    %dma_start3A_63 = arith.constant 100 : i32
    %dma_start3A_64 = arith.constant 0 : i32
    %dma_start3A_65 = tpu.memref_slice %dma_start3A_62[%dma_start3A_63, %dma_start3A_64] : memref<200x128xf32, #tpu.memory_space<vmem>> -> memref<100x128xf32, #tpu.memory_space<vmem>>
    %dma_start3A_66 = arith.constant 0 : i32
    %dma_start3A_67 = tpu.memref_slice %arg5[%dma_start3A_56, %dma_start3A_66] : memref<64x100xi32, #tpu.memory_space<vmem>> -> memref<1x100xi32, #tpu.memory_space<vmem>>
    %dma_start3A_68 = tpu.memref_squeeze %dma_start3A_67 : memref<1x100xi32, #tpu.memory_space<vmem>> -> memref<100xi32, #tpu.memory_space<vmem>>
    %dma_start3A_69 = arith.constant 0 : i32
    %dma_start3A_70 = arith.constant 0 : i32
    %dma_start3A_71 = tpu.memref_slice %arg2[%dma_start3A_69, %dma_start3A_70] : memref<10000x128xf32, #tpu.memory_space<hbm>> -> memref<10000x128xf32, #tpu.memory_space<hbm>>
    %dma_start3A_72 = tpu.memref_slice %arg7[%dma_start3A_58] : memref<4x!tpu.dma_semaphore, #tpu.memory_space<semaphore_mem>> -> memref<1x!tpu.dma_semaphore, #tpu.memory_space<semaphore_mem>>
    %dma_start3A_73 = tpu.memref_squeeze %dma_start3A_72 : memref<1x!tpu.dma_semaphore, #tpu.memory_space<semaphore_mem>> -> memref<!tpu.dma_semaphore, #tpu.memory_space<semaphore_mem>>
    tpu.enqueue_indirect_dma source(%dma_start3A_71 : memref<10000x128xf32, #tpu.memory_space<hbm>>) target(%dma_start3A_65 : memref<100x128xf32, #tpu.memory_space<vmem>>) offsets(%dma_start3A_68 : memref<100xi32, #tpu.memory_space<vmem>>) semaphore(%dma_start3A_73 : memref<!tpu.dma_semaphore, #tpu.memory_space<semaphore_mem>>)
    %dma_start3A_74 = arith.constant 4 : i32
    %dma_start3A_75 = arith.constant 2 : i32
    %dma_start3A_76 = arith.constant 2 : i32
    %dma_start3A_77 = arith.constant 0 : i32
    %dma_start3A_78 = arith.constant 0 : i32
    %dma_start3A_79 = tpu.memref_slice %arg6[%dma_start3A_75, %dma_start3A_77, %dma_start3A_78] : memref<4x200x128xf32, #tpu.memory_space<vmem>> -> memref<1x200x128xf32, #tpu.memory_space<vmem>>
    %dma_start3A_80 = tpu.memref_squeeze %dma_start3A_79 : memref<1x200x128xf32, #tpu.memory_space<vmem>> -> memref<200x128xf32, #tpu.memory_space<vmem>>
    %dma_start3A_81 = arith.constant 0 : i32
    %dma_start3A_82 = arith.constant 0 : i32
    %dma_start3A_83 = tpu.memref_slice %dma_start3A_80[%dma_start3A_81, %dma_start3A_82] : memref<200x128xf32, #tpu.memory_space<vmem>> -> memref<100x128xf32, #tpu.memory_space<vmem>>
    %dma_start3A_84 = arith.constant 0 : i32
    %dma_start3A_85 = tpu.memref_slice %arg5[%dma_start3A_74, %dma_start3A_84] : memref<64x100xi32, #tpu.memory_space<vmem>> -> memref<1x100xi32, #tpu.memory_space<vmem>>
    %dma_start3A_86 = tpu.memref_squeeze %dma_start3A_85 : memref<1x100xi32, #tpu.memory_space<vmem>> -> memref<100xi32, #tpu.memory_space<vmem>>
    %dma_start3A_87 = arith.constant 0 : i32
    %dma_start3A_88 = arith.constant 0 : i32
    %dma_start3A_89 = tpu.memref_slice %arg2[%dma_start3A_87, %dma_start3A_88] : memref<10000x128xf32, #tpu.memory_space<hbm>> -> memref<10000x128xf32, #tpu.memory_space<hbm>>
    %dma_start3A_90 = tpu.memref_slice %arg7[%dma_start3A_76] : memref<4x!tpu.dma_semaphore, #tpu.memory_space<semaphore_mem>> -> memref<1x!tpu.dma_semaphore, #tpu.memory_space<semaphore_mem>>
    %dma_start3A_91 = tpu.memref_squeeze %dma_start3A_90 : memref<1x!tpu.dma_semaphore, #tpu.memory_space<semaphore_mem>> -> memref<!tpu.dma_semaphore, #tpu.memory_space<semaphore_mem>>
    tpu.enqueue_indirect_dma source(%dma_start3A_89 : memref<10000x128xf32, #tpu.memory_space<hbm>>) target(%dma_start3A_83 : memref<100x128xf32, #tpu.memory_space<vmem>>) offsets(%dma_start3A_86 : memref<100xi32, #tpu.memory_space<vmem>>) semaphore(%dma_start3A_91 : memref<!tpu.dma_semaphore, #tpu.memory_space<semaphore_mem>>)
    %dma_start3A_92 = arith.constant 5 : i32
    %dma_start3A_93 = arith.constant 2 : i32
    %dma_start3A_94 = arith.constant 2 : i32
    %dma_start3A_95 = arith.constant 0 : i32
    %dma_start3A_96 = arith.constant 0 : i32
    %dma_start3A_97 = tpu.memref_slice %arg6[%dma_start3A_93, %dma_start3A_95, %dma_start3A_96] : memref<4x200x128xf32, #tpu.memory_space<vmem>> -> memref<1x200x128xf32, #tpu.memory_space<vmem>>
    %dma_start3A_98 = tpu.memref_squeeze %dma_start3A_97 : memref<1x200x128xf32, #tpu.memory_space<vmem>> -> memref<200x128xf32, #tpu.memory_space<vmem>>
    %dma_start3A_99 = arith.constant 100 : i32
    %dma_start3A_100 = arith.constant 0 : i32
    %dma_start3A_101 = tpu.memref_slice %dma_start3A_98[%dma_start3A_99, %dma_start3A_100] : memref<200x128xf32, #tpu.memory_space<vmem>> -> memref<100x128xf32, #tpu.memory_space<vmem>>
    %dma_start3A_102 = arith.constant 0 : i32
    %dma_start3A_103 = tpu.memref_slice %arg5[%dma_start3A_92, %dma_start3A_102] : memref<64x100xi32, #tpu.memory_space<vmem>> -> memref<1x100xi32, #tpu.memory_space<vmem>>
    %dma_start3A_104 = tpu.memref_squeeze %dma_start3A_103 : memref<1x100xi32, #tpu.memory_space<vmem>> -> memref<100xi32, #tpu.memory_space<vmem>>
    %dma_start3A_105 = arith.constant 0 : i32
    %dma_start3A_106 = arith.constant 0 : i32
    %dma_start3A_107 = tpu.memref_slice %arg2[%dma_start3A_105, %dma_start3A_106] : memref<10000x128xf32, #tpu.memory_space<hbm>> -> memref<10000x128xf32, #tpu.memory_space<hbm>>
    %dma_start3A_108 = tpu.memref_slice %arg7[%dma_start3A_94] : memref<4x!tpu.dma_semaphore, #tpu.memory_space<semaphore_mem>> -> memref<1x!tpu.dma_semaphore, #tpu.memory_space<semaphore_mem>>
    %dma_start3A_109 = tpu.memref_squeeze %dma_start3A_108 : memref<1x!tpu.dma_semaphore, #tpu.memory_space<semaphore_mem>> -> memref<!tpu.dma_semaphore, #tpu.memory_space<semaphore_mem>>
    tpu.enqueue_indirect_dma source(%dma_start3A_107 : memref<10000x128xf32, #tpu.memory_space<hbm>>) target(%dma_start3A_101 : memref<100x128xf32, #tpu.memory_space<vmem>>) offsets(%dma_start3A_104 : memref<100xi32, #tpu.memory_space<vmem>>) semaphore(%dma_start3A_109 : memref<!tpu.dma_semaphore, #tpu.memory_space<semaphore_mem>>)
    %dma_start3A_110 = arith.constant 6 : i32
    %dma_start3A_111 = arith.constant 3 : i32
    %dma_start3A_112 = arith.constant 3 : i32
    %dma_start3A_113 = arith.constant 0 : i32
    %dma_start3A_114 = arith.constant 0 : i32
    %dma_start3A_115 = tpu.memref_slice %arg6[%dma_start3A_111, %dma_start3A_113, %dma_start3A_114] : memref<4x200x128xf32, #tpu.memory_space<vmem>> -> memref<1x200x128xf32, #tpu.memory_space<vmem>>
    %dma_start3A_116 = tpu.memref_squeeze %dma_start3A_115 : memref<1x200x128xf32, #tpu.memory_space<vmem>> -> memref<200x128xf32, #tpu.memory_space<vmem>>
    %dma_start3A_117 = arith.constant 0 : i32
    %dma_start3A_118 = arith.constant 0 : i32
    %dma_start3A_119 = tpu.memref_slice %dma_start3A_116[%dma_start3A_117, %dma_start3A_118] : memref<200x128xf32, #tpu.memory_space<vmem>> -> memref<100x128xf32, #tpu.memory_space<vmem>>
    %dma_start3A_120 = arith.constant 0 : i32
    %dma_start3A_121 = tpu.memref_slice %arg5[%dma_start3A_110, %dma_start3A_120] : memref<64x100xi32, #tpu.memory_space<vmem>> -> memref<1x100xi32, #tpu.memory_space<vmem>>
    %dma_start3A_122 = tpu.memref_squeeze %dma_start3A_121 : memref<1x100xi32, #tpu.memory_space<vmem>> -> memref<100xi32, #tpu.memory_space<vmem>>
    %dma_start3A_123 = arith.constant 0 : i32
    %dma_start3A_124 = arith.constant 0 : i32
    %dma_start3A_125 = tpu.memref_slice %arg2[%dma_start3A_123, %dma_start3A_124] : memref<10000x128xf32, #tpu.memory_space<hbm>> -> memref<10000x128xf32, #tpu.memory_space<hbm>>
    %dma_start3A_126 = tpu.memref_slice %arg7[%dma_start3A_112] : memref<4x!tpu.dma_semaphore, #tpu.memory_space<semaphore_mem>> -> memref<1x!tpu.dma_semaphore, #tpu.memory_space<semaphore_mem>>
    %dma_start3A_127 = tpu.memref_squeeze %dma_start3A_126 : memref<1x!tpu.dma_semaphore, #tpu.memory_space<semaphore_mem>> -> memref<!tpu.dma_semaphore, #tpu.memory_space<semaphore_mem>>
    tpu.enqueue_indirect_dma source(%dma_start3A_125 : memref<10000x128xf32, #tpu.memory_space<hbm>>) target(%dma_start3A_119 : memref<100x128xf32, #tpu.memory_space<vmem>>) offsets(%dma_start3A_122 : memref<100xi32, #tpu.memory_space<vmem>>) semaphore(%dma_start3A_127 : memref<!tpu.dma_semaphore, #tpu.memory_space<semaphore_mem>>)
    %dma_start3A_128 = arith.constant 7 : i32
    %dma_start3A_129 = arith.constant 3 : i32
    %dma_start3A_130 = arith.constant 3 : i32
    %dma_start3A_131 = arith.constant 0 : i32
    %dma_start3A_132 = arith.constant 0 : i32
    %dma_start3A_133 = tpu.memref_slice %arg6[%dma_start3A_129, %dma_start3A_131, %dma_start3A_132] : memref<4x200x128xf32, #tpu.memory_space<vmem>> -> memref<1x200x128xf32, #tpu.memory_space<vmem>>
    %dma_start3A_134 = tpu.memref_squeeze %dma_start3A_133 : memref<1x200x128xf32, #tpu.memory_space<vmem>> -> memref<200x128xf32, #tpu.memory_space<vmem>>
    %dma_start3A_135 = arith.constant 100 : i32
    %dma_start3A_136 = arith.constant 0 : i32
    %dma_start3A_137 = tpu.memref_slice %dma_start3A_134[%dma_start3A_135, %dma_start3A_136] : memref<200x128xf32, #tpu.memory_space<vmem>> -> memref<100x128xf32, #tpu.memory_space<vmem>>
    %dma_start3A_138 = arith.constant 0 : i32
    %dma_start3A_139 = tpu.memref_slice %arg5[%dma_start3A_128, %dma_start3A_138] : memref<64x100xi32, #tpu.memory_space<vmem>> -> memref<1x100xi32, #tpu.memory_space<vmem>>
    %dma_start3A_140 = tpu.memref_squeeze %dma_start3A_139 : memref<1x100xi32, #tpu.memory_space<vmem>> -> memref<100xi32, #tpu.memory_space<vmem>>
    %dma_start3A_141 = arith.constant 0 : i32
    %dma_start3A_142 = arith.constant 0 : i32
    %dma_start3A_143 = tpu.memref_slice %arg2[%dma_start3A_141, %dma_start3A_142] : memref<10000x128xf32, #tpu.memory_space<hbm>> -> memref<10000x128xf32, #tpu.memory_space<hbm>>
    %dma_start3A_144 = tpu.memref_slice %arg7[%dma_start3A_130] : memref<4x!tpu.dma_semaphore, #tpu.memory_space<semaphore_mem>> -> memref<1x!tpu.dma_semaphore, #tpu.memory_space<semaphore_mem>>
    %dma_start3A_145 = tpu.memref_squeeze %dma_start3A_144 : memref<1x!tpu.dma_semaphore, #tpu.memory_space<semaphore_mem>> -> memref<!tpu.dma_semaphore, #tpu.memory_space<semaphore_mem>>
    tpu.enqueue_indirect_dma source(%dma_start3A_143 : memref<10000x128xf32, #tpu.memory_space<hbm>>) target(%dma_start3A_137 : memref<100x128xf32, #tpu.memory_space<vmem>>) offsets(%dma_start3A_140 : memref<100xi32, #tpu.memory_space<vmem>>) semaphore(%dma_start3A_145 : memref<!tpu.dma_semaphore, #tpu.memory_space<semaphore_mem>>)
    %scan3A = arith.constant 0 : i32
    %scan3A_146 = arith.constant 7 : i32
    %scan3A_147 = arith.addi %scan3A, %scan3A_146 : i32
    %scan3A_148 = arith.constant 1 : i32
    scf.for %scan3A_397 = %scan3A to %scan3A_147 step %scan3A_148  : i32 {
      %mul3A_398 = arith.constant 4 : i32
      %mul3A_399 = arith.muli %scan3A_397, %mul3A_398 : i32
      %add3A_400 = arith.constant 0 : i32
      %add3A_401 = arith.addi %add3A_400, %mul3A_399 : i32
      %add3A_402 = arith.constant 0 : i32
      %add3A_403 = arith.addi %add3A_401, %add3A_402 : i32
      %dma_wait3A_404 = arith.constant 0 : i32
      %dma_wait3A_405 = arith.constant 0 : i32
      %dma_wait3A_406 = arith.constant 0 : i32
      %dma_wait3A_407 = arith.constant 0 : i32
      %dma_wait3A_408 = tpu.memref_slice %arg6[%dma_wait3A_404, %dma_wait3A_406, %dma_wait3A_407] : memref<4x200x128xf32, #tpu.memory_space<vmem>> -> memref<1x200x128xf32, #tpu.memory_space<vmem>>
      %dma_wait3A_409 = tpu.memref_squeeze %dma_wait3A_408 : memref<1x200x128xf32, #tpu.memory_space<vmem>> -> memref<200x128xf32, #tpu.memory_space<vmem>>
      %dma_wait3A_410 = arith.constant 0 : i32
      %dma_wait3A_411 = arith.constant 0 : i32
      %dma_wait3A_412 = tpu.memref_slice %arg2[%dma_wait3A_410, %dma_wait3A_411] : memref<10000x128xf32, #tpu.memory_space<hbm>> -> memref<200x128xf32, #tpu.memory_space<hbm>>
      %dma_wait3A_413 = tpu.memref_slice %arg7[%dma_wait3A_405] : memref<4x!tpu.dma_semaphore, #tpu.memory_space<semaphore_mem>> -> memref<1x!tpu.dma_semaphore, #tpu.memory_space<semaphore_mem>>
      %dma_wait3A_414 = tpu.memref_squeeze %dma_wait3A_413 : memref<1x!tpu.dma_semaphore, #tpu.memory_space<semaphore_mem>> -> memref<!tpu.dma_semaphore, #tpu.memory_space<semaphore_mem>>
      %dma_wait3A_415 = arith.constant 0 : i32
      %dma_wait3A_416 = arith.constant 0 : i32
      %dma_wait3A_417 = tpu.memref_slice %arg6[%dma_wait3A_404, %dma_wait3A_415, %dma_wait3A_416] : memref<4x200x128xf32, #tpu.memory_space<vmem>> -> memref<1x200x128xf32, #tpu.memory_space<vmem>>
      %dma_wait3A_418 = tpu.memref_squeeze %dma_wait3A_417 : memref<1x200x128xf32, #tpu.memory_space<vmem>> -> memref<200x128xf32, #tpu.memory_space<vmem>>
      %dma_wait3A_419 = arith.constant 0 : i32
      %dma_wait3A_420 = arith.constant 0 : i32
      %dma_wait3A_421 = tpu.memref_slice %arg2[%dma_wait3A_419, %dma_wait3A_420] : memref<10000x128xf32, #tpu.memory_space<hbm>> -> memref<200x128xf32, #tpu.memory_space<hbm>>
      tpu.wait_dma2 semaphore(%dma_wait3A_414 : memref<!tpu.dma_semaphore, #tpu.memory_space<semaphore_mem>>) src(%dma_wait3A_421 : memref<200x128xf32, #tpu.memory_space<hbm>>) dst(%dma_wait3A_418 : memref<200x128xf32, #tpu.memory_space<vmem>>)
      %add3A_422 = arith.constant 0 : i32
      %add3A_423 = arith.addi %add3A_401, %add3A_422 : i32
      %mul3A_424 = arith.constant 4 : i32
      %mul3A_425 = arith.muli %add3A_423, %mul3A_424 : i32
      %add3A_426 = arith.addi %mul3A_2, %mul3A_425 : i32
      %dma_start3A_427 = arith.constant 0 : i32
      %dma_start3A_428 = arith.constant 0 : i32
      %dma_start3A_429 = arith.constant 0 : i32
      %dma_start3A_430 = arith.constant 0 : i32
      %dma_start3A_431 = tpu.memref_slice %arg6[%dma_start3A_427, %dma_start3A_429, %dma_start3A_430] : memref<4x200x128xf32, #tpu.memory_space<vmem>> -> memref<1x200x128xf32, #tpu.memory_space<vmem>>
      %dma_start3A_432 = tpu.memref_squeeze %dma_start3A_431 : memref<1x200x128xf32, #tpu.memory_space<vmem>> -> memref<200x128xf32, #tpu.memory_space<vmem>>
      %dma_start3A_433 = tpu.memref_reshape %dma_start3A_432 : memref<200x128xf32, #tpu.memory_space<vmem>> -> memref<4x50x128xf32, #tpu.memory_space<vmem>>
      %dma_start3A_434 = arith.constant 0 : i32
      %dma_start3A_435 = arith.constant 0 : i32
      %dma_start3A_436 = tpu.memref_slice %arg4[%add3A_426, %dma_start3A_434, %dma_start3A_435] : memref<4096x50x128xf32, #tpu.memory_space<hbm>> -> memref<4x50x128xf32, #tpu.memory_space<hbm>>
      %dma_start3A_437 = tpu.memref_slice %arg8[%dma_start3A_428] : memref<4x!tpu.dma_semaphore, #tpu.memory_space<semaphore_mem>> -> memref<1x!tpu.dma_semaphore, #tpu.memory_space<semaphore_mem>>
      %dma_start3A_438 = tpu.memref_squeeze %dma_start3A_437 : memref<1x!tpu.dma_semaphore, #tpu.memory_space<semaphore_mem>> -> memref<!tpu.dma_semaphore, #tpu.memory_space<semaphore_mem>>
      %dma_start3A_439 = arith.constant 0 : i32
      %dma_start3A_440 = arith.constant 0 : i32
      %dma_start3A_441 = tpu.memref_slice %arg4[%add3A_426, %dma_start3A_439, %dma_start3A_440] : memref<4096x50x128xf32, #tpu.memory_space<hbm>> -> memref<4x50x128xf32, #tpu.memory_space<hbm>>
      %dma_start3A_442 = arith.constant 0 : i32
      %dma_start3A_443 = arith.constant 0 : i32
      %dma_start3A_444 = tpu.memref_slice %arg6[%dma_start3A_427, %dma_start3A_442, %dma_start3A_443] : memref<4x200x128xf32, #tpu.memory_space<vmem>> -> memref<1x200x128xf32, #tpu.memory_space<vmem>>
      %dma_start3A_445 = tpu.memref_squeeze %dma_start3A_444 : memref<1x200x128xf32, #tpu.memory_space<vmem>> -> memref<200x128xf32, #tpu.memory_space<vmem>>
      %dma_start3A_446 = tpu.memref_reshape %dma_start3A_445 : memref<200x128xf32, #tpu.memory_space<vmem>> -> memref<4x50x128xf32, #tpu.memory_space<vmem>>
      tpu.enqueue_dma source(%dma_start3A_446 : memref<4x50x128xf32, #tpu.memory_space<vmem>>) target(%dma_start3A_441 : memref<4x50x128xf32, #tpu.memory_space<hbm>>) target_semaphore(%dma_start3A_438 : memref<!tpu.dma_semaphore, #tpu.memory_space<semaphore_mem>>)
      %add3A_447 = arith.constant 1 : i32
      %add3A_448 = arith.addi %add3A_401, %add3A_447 : i32
      %dma_wait3A_449 = arith.constant 1 : i32
      %dma_wait3A_450 = arith.constant 1 : i32
      %dma_wait3A_451 = arith.constant 0 : i32
      %dma_wait3A_452 = arith.constant 0 : i32
      %dma_wait3A_453 = tpu.memref_slice %arg6[%dma_wait3A_449, %dma_wait3A_451, %dma_wait3A_452] : memref<4x200x128xf32, #tpu.memory_space<vmem>> -> memref<1x200x128xf32, #tpu.memory_space<vmem>>
      %dma_wait3A_454 = tpu.memref_squeeze %dma_wait3A_453 : memref<1x200x128xf32, #tpu.memory_space<vmem>> -> memref<200x128xf32, #tpu.memory_space<vmem>>
      %dma_wait3A_455 = arith.constant 0 : i32
      %dma_wait3A_456 = arith.constant 0 : i32
      %dma_wait3A_457 = tpu.memref_slice %arg2[%dma_wait3A_455, %dma_wait3A_456] : memref<10000x128xf32, #tpu.memory_space<hbm>> -> memref<200x128xf32, #tpu.memory_space<hbm>>
      %dma_wait3A_458 = tpu.memref_slice %arg7[%dma_wait3A_450] : memref<4x!tpu.dma_semaphore, #tpu.memory_space<semaphore_mem>> -> memref<1x!tpu.dma_semaphore, #tpu.memory_space<semaphore_mem>>
      %dma_wait3A_459 = tpu.memref_squeeze %dma_wait3A_458 : memref<1x!tpu.dma_semaphore, #tpu.memory_space<semaphore_mem>> -> memref<!tpu.dma_semaphore, #tpu.memory_space<semaphore_mem>>
      %dma_wait3A_460 = arith.constant 0 : i32
      %dma_wait3A_461 = arith.constant 0 : i32
      %dma_wait3A_462 = tpu.memref_slice %arg6[%dma_wait3A_449, %dma_wait3A_460, %dma_wait3A_461] : memref<4x200x128xf32, #tpu.memory_space<vmem>> -> memref<1x200x128xf32, #tpu.memory_space<vmem>>
      %dma_wait3A_463 = tpu.memref_squeeze %dma_wait3A_462 : memref<1x200x128xf32, #tpu.memory_space<vmem>> -> memref<200x128xf32, #tpu.memory_space<vmem>>
      %dma_wait3A_464 = arith.constant 0 : i32
      %dma_wait3A_465 = arith.constant 0 : i32
      %dma_wait3A_466 = tpu.memref_slice %arg2[%dma_wait3A_464, %dma_wait3A_465] : memref<10000x128xf32, #tpu.memory_space<hbm>> -> memref<200x128xf32, #tpu.memory_space<hbm>>
      tpu.wait_dma2 semaphore(%dma_wait3A_459 : memref<!tpu.dma_semaphore, #tpu.memory_space<semaphore_mem>>) src(%dma_wait3A_466 : memref<200x128xf32, #tpu.memory_space<hbm>>) dst(%dma_wait3A_463 : memref<200x128xf32, #tpu.memory_space<vmem>>)
      %add3A_467 = arith.constant 1 : i32
      %add3A_468 = arith.addi %add3A_401, %add3A_467 : i32
      %mul3A_469 = arith.constant 4 : i32
      %mul3A_470 = arith.muli %add3A_468, %mul3A_469 : i32
      %add3A_471 = arith.addi %mul3A_2, %mul3A_470 : i32
      %dma_start3A_472 = arith.constant 1 : i32
      %dma_start3A_473 = arith.constant 1 : i32
      %dma_start3A_474 = arith.constant 0 : i32
      %dma_start3A_475 = arith.constant 0 : i32
      %dma_start3A_476 = tpu.memref_slice %arg6[%dma_start3A_472, %dma_start3A_474, %dma_start3A_475] : memref<4x200x128xf32, #tpu.memory_space<vmem>> -> memref<1x200x128xf32, #tpu.memory_space<vmem>>
      %dma_start3A_477 = tpu.memref_squeeze %dma_start3A_476 : memref<1x200x128xf32, #tpu.memory_space<vmem>> -> memref<200x128xf32, #tpu.memory_space<vmem>>
      %dma_start3A_478 = tpu.memref_reshape %dma_start3A_477 : memref<200x128xf32, #tpu.memory_space<vmem>> -> memref<4x50x128xf32, #tpu.memory_space<vmem>>
      %dma_start3A_479 = arith.constant 0 : i32
      %dma_start3A_480 = arith.constant 0 : i32
      %dma_start3A_481 = tpu.memref_slice %arg4[%add3A_471, %dma_start3A_479, %dma_start3A_480] : memref<4096x50x128xf32, #tpu.memory_space<hbm>> -> memref<4x50x128xf32, #tpu.memory_space<hbm>>
      %dma_start3A_482 = tpu.memref_slice %arg8[%dma_start3A_473] : memref<4x!tpu.dma_semaphore, #tpu.memory_space<semaphore_mem>> -> memref<1x!tpu.dma_semaphore, #tpu.memory_space<semaphore_mem>>
      %dma_start3A_483 = tpu.memref_squeeze %dma_start3A_482 : memref<1x!tpu.dma_semaphore, #tpu.memory_space<semaphore_mem>> -> memref<!tpu.dma_semaphore, #tpu.memory_space<semaphore_mem>>
      %dma_start3A_484 = arith.constant 0 : i32
      %dma_start3A_485 = arith.constant 0 : i32
      %dma_start3A_486 = tpu.memref_slice %arg4[%add3A_471, %dma_start3A_484, %dma_start3A_485] : memref<4096x50x128xf32, #tpu.memory_space<hbm>> -> memref<4x50x128xf32, #tpu.memory_space<hbm>>
      %dma_start3A_487 = arith.constant 0 : i32
      %dma_start3A_488 = arith.constant 0 : i32
      %dma_start3A_489 = tpu.memref_slice %arg6[%dma_start3A_472, %dma_start3A_487, %dma_start3A_488] : memref<4x200x128xf32, #tpu.memory_space<vmem>> -> memref<1x200x128xf32, #tpu.memory_space<vmem>>
      %dma_start3A_490 = tpu.memref_squeeze %dma_start3A_489 : memref<1x200x128xf32, #tpu.memory_space<vmem>> -> memref<200x128xf32, #tpu.memory_space<vmem>>
      %dma_start3A_491 = tpu.memref_reshape %dma_start3A_490 : memref<200x128xf32, #tpu.memory_space<vmem>> -> memref<4x50x128xf32, #tpu.memory_space<vmem>>
      tpu.enqueue_dma source(%dma_start3A_491 : memref<4x50x128xf32, #tpu.memory_space<vmem>>) target(%dma_start3A_486 : memref<4x50x128xf32, #tpu.memory_space<hbm>>) target_semaphore(%dma_start3A_483 : memref<!tpu.dma_semaphore, #tpu.memory_space<semaphore_mem>>)
      %add3A_492 = arith.constant 2 : i32
      %add3A_493 = arith.addi %add3A_401, %add3A_492 : i32
      %dma_wait3A_494 = arith.constant 2 : i32
      %dma_wait3A_495 = arith.constant 2 : i32
      %dma_wait3A_496 = arith.constant 0 : i32
      %dma_wait3A_497 = arith.constant 0 : i32
      %dma_wait3A_498 = tpu.memref_slice %arg6[%dma_wait3A_494, %dma_wait3A_496, %dma_wait3A_497] : memref<4x200x128xf32, #tpu.memory_space<vmem>> -> memref<1x200x128xf32, #tpu.memory_space<vmem>>
      %dma_wait3A_499 = tpu.memref_squeeze %dma_wait3A_498 : memref<1x200x128xf32, #tpu.memory_space<vmem>> -> memref<200x128xf32, #tpu.memory_space<vmem>>
      %dma_wait3A_500 = arith.constant 0 : i32
      %dma_wait3A_501 = arith.constant 0 : i32
      %dma_wait3A_502 = tpu.memref_slice %arg2[%dma_wait3A_500, %dma_wait3A_501] : memref<10000x128xf32, #tpu.memory_space<hbm>> -> memref<200x128xf32, #tpu.memory_space<hbm>>
      %dma_wait3A_503 = tpu.memref_slice %arg7[%dma_wait3A_495] : memref<4x!tpu.dma_semaphore, #tpu.memory_space<semaphore_mem>> -> memref<1x!tpu.dma_semaphore, #tpu.memory_space<semaphore_mem>>
      %dma_wait3A_504 = tpu.memref_squeeze %dma_wait3A_503 : memref<1x!tpu.dma_semaphore, #tpu.memory_space<semaphore_mem>> -> memref<!tpu.dma_semaphore, #tpu.memory_space<semaphore_mem>>
      %dma_wait3A_505 = arith.constant 0 : i32
      %dma_wait3A_506 = arith.constant 0 : i32
      %dma_wait3A_507 = tpu.memref_slice %arg6[%dma_wait3A_494, %dma_wait3A_505, %dma_wait3A_506] : memref<4x200x128xf32, #tpu.memory_space<vmem>> -> memref<1x200x128xf32, #tpu.memory_space<vmem>>
      %dma_wait3A_508 = tpu.memref_squeeze %dma_wait3A_507 : memref<1x200x128xf32, #tpu.memory_space<vmem>> -> memref<200x128xf32, #tpu.memory_space<vmem>>
      %dma_wait3A_509 = arith.constant 0 : i32
      %dma_wait3A_510 = arith.constant 0 : i32
      %dma_wait3A_511 = tpu.memref_slice %arg2[%dma_wait3A_509, %dma_wait3A_510] : memref<10000x128xf32, #tpu.memory_space<hbm>> -> memref<200x128xf32, #tpu.memory_space<hbm>>
      tpu.wait_dma2 semaphore(%dma_wait3A_504 : memref<!tpu.dma_semaphore, #tpu.memory_space<semaphore_mem>>) src(%dma_wait3A_511 : memref<200x128xf32, #tpu.memory_space<hbm>>) dst(%dma_wait3A_508 : memref<200x128xf32, #tpu.memory_space<vmem>>)
      %add3A_512 = arith.constant 2 : i32
      %add3A_513 = arith.addi %add3A_401, %add3A_512 : i32
      %mul3A_514 = arith.constant 4 : i32
      %mul3A_515 = arith.muli %add3A_513, %mul3A_514 : i32
      %add3A_516 = arith.addi %mul3A_2, %mul3A_515 : i32
      %dma_start3A_517 = arith.constant 2 : i32
      %dma_start3A_518 = arith.constant 2 : i32
      %dma_start3A_519 = arith.constant 0 : i32
      %dma_start3A_520 = arith.constant 0 : i32
      %dma_start3A_521 = tpu.memref_slice %arg6[%dma_start3A_517, %dma_start3A_519, %dma_start3A_520] : memref<4x200x128xf32, #tpu.memory_space<vmem>> -> memref<1x200x128xf32, #tpu.memory_space<vmem>>
      %dma_start3A_522 = tpu.memref_squeeze %dma_start3A_521 : memref<1x200x128xf32, #tpu.memory_space<vmem>> -> memref<200x128xf32, #tpu.memory_space<vmem>>
      %dma_start3A_523 = tpu.memref_reshape %dma_start3A_522 : memref<200x128xf32, #tpu.memory_space<vmem>> -> memref<4x50x128xf32, #tpu.memory_space<vmem>>
      %dma_start3A_524 = arith.constant 0 : i32
      %dma_start3A_525 = arith.constant 0 : i32
      %dma_start3A_526 = tpu.memref_slice %arg4[%add3A_516, %dma_start3A_524, %dma_start3A_525] : memref<4096x50x128xf32, #tpu.memory_space<hbm>> -> memref<4x50x128xf32, #tpu.memory_space<hbm>>
      %dma_start3A_527 = tpu.memref_slice %arg8[%dma_start3A_518] : memref<4x!tpu.dma_semaphore, #tpu.memory_space<semaphore_mem>> -> memref<1x!tpu.dma_semaphore, #tpu.memory_space<semaphore_mem>>
      %dma_start3A_528 = tpu.memref_squeeze %dma_start3A_527 : memref<1x!tpu.dma_semaphore, #tpu.memory_space<semaphore_mem>> -> memref<!tpu.dma_semaphore, #tpu.memory_space<semaphore_mem>>
      %dma_start3A_529 = arith.constant 0 : i32
      %dma_start3A_530 = arith.constant 0 : i32
      %dma_start3A_531 = tpu.memref_slice %arg4[%add3A_516, %dma_start3A_529, %dma_start3A_530] : memref<4096x50x128xf32, #tpu.memory_space<hbm>> -> memref<4x50x128xf32, #tpu.memory_space<hbm>>
      %dma_start3A_532 = arith.constant 0 : i32
      %dma_start3A_533 = arith.constant 0 : i32
      %dma_start3A_534 = tpu.memref_slice %arg6[%dma_start3A_517, %dma_start3A_532, %dma_start3A_533] : memref<4x200x128xf32, #tpu.memory_space<vmem>> -> memref<1x200x128xf32, #tpu.memory_space<vmem>>
      %dma_start3A_535 = tpu.memref_squeeze %dma_start3A_534 : memref<1x200x128xf32, #tpu.memory_space<vmem>> -> memref<200x128xf32, #tpu.memory_space<vmem>>
      %dma_start3A_536 = tpu.memref_reshape %dma_start3A_535 : memref<200x128xf32, #tpu.memory_space<vmem>> -> memref<4x50x128xf32, #tpu.memory_space<vmem>>
      tpu.enqueue_dma source(%dma_start3A_536 : memref<4x50x128xf32, #tpu.memory_space<vmem>>) target(%dma_start3A_531 : memref<4x50x128xf32, #tpu.memory_space<hbm>>) target_semaphore(%dma_start3A_528 : memref<!tpu.dma_semaphore, #tpu.memory_space<semaphore_mem>>)
      %add3A_537 = arith.constant 3 : i32
      %add3A_538 = arith.addi %add3A_401, %add3A_537 : i32
      %dma_wait3A_539 = arith.constant 3 : i32
      %dma_wait3A_540 = arith.constant 3 : i32
      %dma_wait3A_541 = arith.constant 0 : i32
      %dma_wait3A_542 = arith.constant 0 : i32
      %dma_wait3A_543 = tpu.memref_slice %arg6[%dma_wait3A_539, %dma_wait3A_541, %dma_wait3A_542] : memref<4x200x128xf32, #tpu.memory_space<vmem>> -> memref<1x200x128xf32, #tpu.memory_space<vmem>>
      %dma_wait3A_544 = tpu.memref_squeeze %dma_wait3A_543 : memref<1x200x128xf32, #tpu.memory_space<vmem>> -> memref<200x128xf32, #tpu.memory_space<vmem>>
      %dma_wait3A_545 = arith.constant 0 : i32
      %dma_wait3A_546 = arith.constant 0 : i32
      %dma_wait3A_547 = tpu.memref_slice %arg2[%dma_wait3A_545, %dma_wait3A_546] : memref<10000x128xf32, #tpu.memory_space<hbm>> -> memref<200x128xf32, #tpu.memory_space<hbm>>
      %dma_wait3A_548 = tpu.memref_slice %arg7[%dma_wait3A_540] : memref<4x!tpu.dma_semaphore, #tpu.memory_space<semaphore_mem>> -> memref<1x!tpu.dma_semaphore, #tpu.memory_space<semaphore_mem>>
      %dma_wait3A_549 = tpu.memref_squeeze %dma_wait3A_548 : memref<1x!tpu.dma_semaphore, #tpu.memory_space<semaphore_mem>> -> memref<!tpu.dma_semaphore, #tpu.memory_space<semaphore_mem>>
      %dma_wait3A_550 = arith.constant 0 : i32
      %dma_wait3A_551 = arith.constant 0 : i32
      %dma_wait3A_552 = tpu.memref_slice %arg6[%dma_wait3A_539, %dma_wait3A_550, %dma_wait3A_551] : memref<4x200x128xf32, #tpu.memory_space<vmem>> -> memref<1x200x128xf32, #tpu.memory_space<vmem>>
      %dma_wait3A_553 = tpu.memref_squeeze %dma_wait3A_552 : memref<1x200x128xf32, #tpu.memory_space<vmem>> -> memref<200x128xf32, #tpu.memory_space<vmem>>
      %dma_wait3A_554 = arith.constant 0 : i32
      %dma_wait3A_555 = arith.constant 0 : i32
      %dma_wait3A_556 = tpu.memref_slice %arg2[%dma_wait3A_554, %dma_wait3A_555] : memref<10000x128xf32, #tpu.memory_space<hbm>> -> memref<200x128xf32, #tpu.memory_space<hbm>>
      tpu.wait_dma2 semaphore(%dma_wait3A_549 : memref<!tpu.dma_semaphore, #tpu.memory_space<semaphore_mem>>) src(%dma_wait3A_556 : memref<200x128xf32, #tpu.memory_space<hbm>>) dst(%dma_wait3A_553 : memref<200x128xf32, #tpu.memory_space<vmem>>)
      %add3A_557 = arith.constant 3 : i32
      %add3A_558 = arith.addi %add3A_401, %add3A_557 : i32
      %mul3A_559 = arith.constant 4 : i32
      %mul3A_560 = arith.muli %add3A_558, %mul3A_559 : i32
      %add3A_561 = arith.addi %mul3A_2, %mul3A_560 : i32
      %dma_start3A_562 = arith.constant 3 : i32
      %dma_start3A_563 = arith.constant 3 : i32
      %dma_start3A_564 = arith.constant 0 : i32
      %dma_start3A_565 = arith.constant 0 : i32
      %dma_start3A_566 = tpu.memref_slice %arg6[%dma_start3A_562, %dma_start3A_564, %dma_start3A_565] : memref<4x200x128xf32, #tpu.memory_space<vmem>> -> memref<1x200x128xf32, #tpu.memory_space<vmem>>
      %dma_start3A_567 = tpu.memref_squeeze %dma_start3A_566 : memref<1x200x128xf32, #tpu.memory_space<vmem>> -> memref<200x128xf32, #tpu.memory_space<vmem>>
      %dma_start3A_568 = tpu.memref_reshape %dma_start3A_567 : memref<200x128xf32, #tpu.memory_space<vmem>> -> memref<4x50x128xf32, #tpu.memory_space<vmem>>
      %dma_start3A_569 = arith.constant 0 : i32
      %dma_start3A_570 = arith.constant 0 : i32
      %dma_start3A_571 = tpu.memref_slice %arg4[%add3A_561, %dma_start3A_569, %dma_start3A_570] : memref<4096x50x128xf32, #tpu.memory_space<hbm>> -> memref<4x50x128xf32, #tpu.memory_space<hbm>>
      %dma_start3A_572 = tpu.memref_slice %arg8[%dma_start3A_563] : memref<4x!tpu.dma_semaphore, #tpu.memory_space<semaphore_mem>> -> memref<1x!tpu.dma_semaphore, #tpu.memory_space<semaphore_mem>>
      %dma_start3A_573 = tpu.memref_squeeze %dma_start3A_572 : memref<1x!tpu.dma_semaphore, #tpu.memory_space<semaphore_mem>> -> memref<!tpu.dma_semaphore, #tpu.memory_space<semaphore_mem>>
      %dma_start3A_574 = arith.constant 0 : i32
      %dma_start3A_575 = arith.constant 0 : i32
      %dma_start3A_576 = tpu.memref_slice %arg4[%add3A_561, %dma_start3A_574, %dma_start3A_575] : memref<4096x50x128xf32, #tpu.memory_space<hbm>> -> memref<4x50x128xf32, #tpu.memory_space<hbm>>
      %dma_start3A_577 = arith.constant 0 : i32
      %dma_start3A_578 = arith.constant 0 : i32
      %dma_start3A_579 = tpu.memref_slice %arg6[%dma_start3A_562, %dma_start3A_577, %dma_start3A_578] : memref<4x200x128xf32, #tpu.memory_space<vmem>> -> memref<1x200x128xf32, #tpu.memory_space<vmem>>
      %dma_start3A_580 = tpu.memref_squeeze %dma_start3A_579 : memref<1x200x128xf32, #tpu.memory_space<vmem>> -> memref<200x128xf32, #tpu.memory_space<vmem>>
      %dma_start3A_581 = tpu.memref_reshape %dma_start3A_580 : memref<200x128xf32, #tpu.memory_space<vmem>> -> memref<4x50x128xf32, #tpu.memory_space<vmem>>
      tpu.enqueue_dma source(%dma_start3A_581 : memref<4x50x128xf32, #tpu.memory_space<vmem>>) target(%dma_start3A_576 : memref<4x50x128xf32, #tpu.memory_space<hbm>>) target_semaphore(%dma_start3A_573 : memref<!tpu.dma_semaphore, #tpu.memory_space<semaphore_mem>>)
      %add3A_582 = arith.constant 0 : i32
      %add3A_583 = arith.addi %add3A_401, %add3A_582 : i32
      %mul3A_584 = arith.constant 4 : i32
      %mul3A_585 = arith.muli %add3A_583, %mul3A_584 : i32
      %add3A_586 = arith.addi %mul3A_2, %mul3A_585 : i32
      %dma_wait3A_587 = arith.constant 0 : i32
      %dma_wait3A_588 = arith.constant 0 : i32
      %dma_wait3A_589 = arith.constant 0 : i32
      %dma_wait3A_590 = arith.constant 0 : i32
      %dma_wait3A_591 = tpu.memref_slice %arg6[%dma_wait3A_587, %dma_wait3A_589, %dma_wait3A_590] : memref<4x200x128xf32, #tpu.memory_space<vmem>> -> memref<1x200x128xf32, #tpu.memory_space<vmem>>
      %dma_wait3A_592 = tpu.memref_squeeze %dma_wait3A_591 : memref<1x200x128xf32, #tpu.memory_space<vmem>> -> memref<200x128xf32, #tpu.memory_space<vmem>>
      %dma_wait3A_593 = tpu.memref_reshape %dma_wait3A_592 : memref<200x128xf32, #tpu.memory_space<vmem>> -> memref<4x50x128xf32, #tpu.memory_space<vmem>>
      %dma_wait3A_594 = arith.constant 0 : i32
      %dma_wait3A_595 = arith.constant 0 : i32
      %dma_wait3A_596 = tpu.memref_slice %arg4[%add3A_586, %dma_wait3A_594, %dma_wait3A_595] : memref<4096x50x128xf32, #tpu.memory_space<hbm>> -> memref<4x50x128xf32, #tpu.memory_space<hbm>>
      %dma_wait3A_597 = tpu.memref_slice %arg8[%dma_wait3A_588] : memref<4x!tpu.dma_semaphore, #tpu.memory_space<semaphore_mem>> -> memref<1x!tpu.dma_semaphore, #tpu.memory_space<semaphore_mem>>
      %dma_wait3A_598 = tpu.memref_squeeze %dma_wait3A_597 : memref<1x!tpu.dma_semaphore, #tpu.memory_space<semaphore_mem>> -> memref<!tpu.dma_semaphore, #tpu.memory_space<semaphore_mem>>
      %dma_wait3A_599 = arith.constant 0 : i32
      %dma_wait3A_600 = arith.constant 0 : i32
      %dma_wait3A_601 = tpu.memref_slice %arg4[%add3A_586, %dma_wait3A_599, %dma_wait3A_600] : memref<4096x50x128xf32, #tpu.memory_space<hbm>> -> memref<4x50x128xf32, #tpu.memory_space<hbm>>
      %dma_wait3A_602 = arith.constant 0 : i32
      %dma_wait3A_603 = arith.constant 0 : i32
      %dma_wait3A_604 = tpu.memref_slice %arg6[%dma_wait3A_587, %dma_wait3A_602, %dma_wait3A_603] : memref<4x200x128xf32, #tpu.memory_space<vmem>> -> memref<1x200x128xf32, #tpu.memory_space<vmem>>
      %dma_wait3A_605 = tpu.memref_squeeze %dma_wait3A_604 : memref<1x200x128xf32, #tpu.memory_space<vmem>> -> memref<200x128xf32, #tpu.memory_space<vmem>>
      %dma_wait3A_606 = tpu.memref_reshape %dma_wait3A_605 : memref<200x128xf32, #tpu.memory_space<vmem>> -> memref<4x50x128xf32, #tpu.memory_space<vmem>>
      tpu.wait_dma2 semaphore(%dma_wait3A_598 : memref<!tpu.dma_semaphore, #tpu.memory_space<semaphore_mem>>) src(%dma_wait3A_606 : memref<4x50x128xf32, #tpu.memory_space<vmem>>) dst(%dma_wait3A_601 : memref<4x50x128xf32, #tpu.memory_space<hbm>>)
      %add3A_607 = arith.constant 0 : i32
      %add3A_608 = arith.addi %add3A_401, %add3A_607 : i32
      %add3A_609 = arith.constant 4 : i32
      %add3A_610 = arith.addi %add3A_608, %add3A_609 : i32
      %mul3A_611 = arith.constant 2 : i32
      %mul3A_612 = arith.muli %add3A_610, %mul3A_611 : i32
      %add3A_613 = arith.constant 0 : i32
      %add3A_614 = arith.addi %mul3A_612, %add3A_613 : i32
      %dma_start3A_615 = arith.constant 0 : i32
      %dma_start3A_616 = arith.constant 0 : i32
      %dma_start3A_617 = arith.constant 0 : i32
      %dma_start3A_618 = arith.constant 0 : i32
      %dma_start3A_619 = tpu.memref_slice %arg6[%dma_start3A_615, %dma_start3A_617, %dma_start3A_618] : memref<4x200x128xf32, #tpu.memory_space<vmem>> -> memref<1x200x128xf32, #tpu.memory_space<vmem>>
      %dma_start3A_620 = tpu.memref_squeeze %dma_start3A_619 : memref<1x200x128xf32, #tpu.memory_space<vmem>> -> memref<200x128xf32, #tpu.memory_space<vmem>>
      %dma_start3A_621 = arith.constant 0 : i32
      %dma_start3A_622 = arith.constant 0 : i32
      %dma_start3A_623 = tpu.memref_slice %dma_start3A_620[%dma_start3A_621, %dma_start3A_622] : memref<200x128xf32, #tpu.memory_space<vmem>> -> memref<100x128xf32, #tpu.memory_space<vmem>>
      %dma_start3A_624 = arith.constant 0 : i32
      %dma_start3A_625 = tpu.memref_slice %arg5[%add3A_614, %dma_start3A_624] : memref<64x100xi32, #tpu.memory_space<vmem>> -> memref<1x100xi32, #tpu.memory_space<vmem>>
      %dma_start3A_626 = tpu.memref_squeeze %dma_start3A_625 : memref<1x100xi32, #tpu.memory_space<vmem>> -> memref<100xi32, #tpu.memory_space<vmem>>
      %dma_start3A_627 = arith.constant 0 : i32
      %dma_start3A_628 = arith.constant 0 : i32
      %dma_start3A_629 = tpu.memref_slice %arg2[%dma_start3A_627, %dma_start3A_628] : memref<10000x128xf32, #tpu.memory_space<hbm>> -> memref<10000x128xf32, #tpu.memory_space<hbm>>
      %dma_start3A_630 = tpu.memref_slice %arg7[%dma_start3A_616] : memref<4x!tpu.dma_semaphore, #tpu.memory_space<semaphore_mem>> -> memref<1x!tpu.dma_semaphore, #tpu.memory_space<semaphore_mem>>
      %dma_start3A_631 = tpu.memref_squeeze %dma_start3A_630 : memref<1x!tpu.dma_semaphore, #tpu.memory_space<semaphore_mem>> -> memref<!tpu.dma_semaphore, #tpu.memory_space<semaphore_mem>>
      tpu.enqueue_indirect_dma source(%dma_start3A_629 : memref<10000x128xf32, #tpu.memory_space<hbm>>) target(%dma_start3A_623 : memref<100x128xf32, #tpu.memory_space<vmem>>) offsets(%dma_start3A_626 : memref<100xi32, #tpu.memory_space<vmem>>) semaphore(%dma_start3A_631 : memref<!tpu.dma_semaphore, #tpu.memory_space<semaphore_mem>>)
      %mul3A_632 = arith.constant 2 : i32
      %mul3A_633 = arith.muli %add3A_610, %mul3A_632 : i32
      %add3A_634 = arith.constant 1 : i32
      %add3A_635 = arith.addi %mul3A_633, %add3A_634 : i32
      %dma_start3A_636 = arith.constant 0 : i32
      %dma_start3A_637 = arith.constant 0 : i32
      %dma_start3A_638 = arith.constant 0 : i32
      %dma_start3A_639 = arith.constant 0 : i32
      %dma_start3A_640 = tpu.memref_slice %arg6[%dma_start3A_636, %dma_start3A_638, %dma_start3A_639] : memref<4x200x128xf32, #tpu.memory_space<vmem>> -> memref<1x200x128xf32, #tpu.memory_space<vmem>>
      %dma_start3A_641 = tpu.memref_squeeze %dma_start3A_640 : memref<1x200x128xf32, #tpu.memory_space<vmem>> -> memref<200x128xf32, #tpu.memory_space<vmem>>
      %dma_start3A_642 = arith.constant 100 : i32
      %dma_start3A_643 = arith.constant 0 : i32
      %dma_start3A_644 = tpu.memref_slice %dma_start3A_641[%dma_start3A_642, %dma_start3A_643] : memref<200x128xf32, #tpu.memory_space<vmem>> -> memref<100x128xf32, #tpu.memory_space<vmem>>
      %dma_start3A_645 = arith.constant 0 : i32
      %dma_start3A_646 = tpu.memref_slice %arg5[%add3A_635, %dma_start3A_645] : memref<64x100xi32, #tpu.memory_space<vmem>> -> memref<1x100xi32, #tpu.memory_space<vmem>>
      %dma_start3A_647 = tpu.memref_squeeze %dma_start3A_646 : memref<1x100xi32, #tpu.memory_space<vmem>> -> memref<100xi32, #tpu.memory_space<vmem>>
      %dma_start3A_648 = arith.constant 0 : i32
      %dma_start3A_649 = arith.constant 0 : i32
      %dma_start3A_650 = tpu.memref_slice %arg2[%dma_start3A_648, %dma_start3A_649] : memref<10000x128xf32, #tpu.memory_space<hbm>> -> memref<10000x128xf32, #tpu.memory_space<hbm>>
      %dma_start3A_651 = tpu.memref_slice %arg7[%dma_start3A_637] : memref<4x!tpu.dma_semaphore, #tpu.memory_space<semaphore_mem>> -> memref<1x!tpu.dma_semaphore, #tpu.memory_space<semaphore_mem>>
      %dma_start3A_652 = tpu.memref_squeeze %dma_start3A_651 : memref<1x!tpu.dma_semaphore, #tpu.memory_space<semaphore_mem>> -> memref<!tpu.dma_semaphore, #tpu.memory_space<semaphore_mem>>
      tpu.enqueue_indirect_dma source(%dma_start3A_650 : memref<10000x128xf32, #tpu.memory_space<hbm>>) target(%dma_start3A_644 : memref<100x128xf32, #tpu.memory_space<vmem>>) offsets(%dma_start3A_647 : memref<100xi32, #tpu.memory_space<vmem>>) semaphore(%dma_start3A_652 : memref<!tpu.dma_semaphore, #tpu.memory_space<semaphore_mem>>)
      %add3A_653 = arith.constant 1 : i32
      %add3A_654 = arith.addi %add3A_401, %add3A_653 : i32
      %mul3A_655 = arith.constant 4 : i32
      %mul3A_656 = arith.muli %add3A_654, %mul3A_655 : i32
      %add3A_657 = arith.addi %mul3A_2, %mul3A_656 : i32
      %dma_wait3A_658 = arith.constant 1 : i32
      %dma_wait3A_659 = arith.constant 1 : i32
      %dma_wait3A_660 = arith.constant 0 : i32
      %dma_wait3A_661 = arith.constant 0 : i32
      %dma_wait3A_662 = tpu.memref_slice %arg6[%dma_wait3A_658, %dma_wait3A_660, %dma_wait3A_661] : memref<4x200x128xf32, #tpu.memory_space<vmem>> -> memref<1x200x128xf32, #tpu.memory_space<vmem>>
      %dma_wait3A_663 = tpu.memref_squeeze %dma_wait3A_662 : memref<1x200x128xf32, #tpu.memory_space<vmem>> -> memref<200x128xf32, #tpu.memory_space<vmem>>
      %dma_wait3A_664 = tpu.memref_reshape %dma_wait3A_663 : memref<200x128xf32, #tpu.memory_space<vmem>> -> memref<4x50x128xf32, #tpu.memory_space<vmem>>
      %dma_wait3A_665 = arith.constant 0 : i32
      %dma_wait3A_666 = arith.constant 0 : i32
      %dma_wait3A_667 = tpu.memref_slice %arg4[%add3A_657, %dma_wait3A_665, %dma_wait3A_666] : memref<4096x50x128xf32, #tpu.memory_space<hbm>> -> memref<4x50x128xf32, #tpu.memory_space<hbm>>
      %dma_wait3A_668 = tpu.memref_slice %arg8[%dma_wait3A_659] : memref<4x!tpu.dma_semaphore, #tpu.memory_space<semaphore_mem>> -> memref<1x!tpu.dma_semaphore, #tpu.memory_space<semaphore_mem>>
      %dma_wait3A_669 = tpu.memref_squeeze %dma_wait3A_668 : memref<1x!tpu.dma_semaphore, #tpu.memory_space<semaphore_mem>> -> memref<!tpu.dma_semaphore, #tpu.memory_space<semaphore_mem>>
      %dma_wait3A_670 = arith.constant 0 : i32
      %dma_wait3A_671 = arith.constant 0 : i32
      %dma_wait3A_672 = tpu.memref_slice %arg4[%add3A_657, %dma_wait3A_670, %dma_wait3A_671] : memref<4096x50x128xf32, #tpu.memory_space<hbm>> -> memref<4x50x128xf32, #tpu.memory_space<hbm>>
      %dma_wait3A_673 = arith.constant 0 : i32
      %dma_wait3A_674 = arith.constant 0 : i32
      %dma_wait3A_675 = tpu.memref_slice %arg6[%dma_wait3A_658, %dma_wait3A_673, %dma_wait3A_674] : memref<4x200x128xf32, #tpu.memory_space<vmem>> -> memref<1x200x128xf32, #tpu.memory_space<vmem>>
      %dma_wait3A_676 = tpu.memref_squeeze %dma_wait3A_675 : memref<1x200x128xf32, #tpu.memory_space<vmem>> -> memref<200x128xf32, #tpu.memory_space<vmem>>
      %dma_wait3A_677 = tpu.memref_reshape %dma_wait3A_676 : memref<200x128xf32, #tpu.memory_space<vmem>> -> memref<4x50x128xf32, #tpu.memory_space<vmem>>
      tpu.wait_dma2 semaphore(%dma_wait3A_669 : memref<!tpu.dma_semaphore, #tpu.memory_space<semaphore_mem>>) src(%dma_wait3A_677 : memref<4x50x128xf32, #tpu.memory_space<vmem>>) dst(%dma_wait3A_672 : memref<4x50x128xf32, #tpu.memory_space<hbm>>)
      %add3A_678 = arith.constant 1 : i32
      %add3A_679 = arith.addi %add3A_401, %add3A_678 : i32
      %add3A_680 = arith.constant 4 : i32
      %add3A_681 = arith.addi %add3A_679, %add3A_680 : i32
      %mul3A_682 = arith.constant 2 : i32
      %mul3A_683 = arith.muli %add3A_681, %mul3A_682 : i32
      %add3A_684 = arith.constant 0 : i32
      %add3A_685 = arith.addi %mul3A_683, %add3A_684 : i32
      %dma_start3A_686 = arith.constant 1 : i32
      %dma_start3A_687 = arith.constant 1 : i32
      %dma_start3A_688 = arith.constant 0 : i32
      %dma_start3A_689 = arith.constant 0 : i32
      %dma_start3A_690 = tpu.memref_slice %arg6[%dma_start3A_686, %dma_start3A_688, %dma_start3A_689] : memref<4x200x128xf32, #tpu.memory_space<vmem>> -> memref<1x200x128xf32, #tpu.memory_space<vmem>>
      %dma_start3A_691 = tpu.memref_squeeze %dma_start3A_690 : memref<1x200x128xf32, #tpu.memory_space<vmem>> -> memref<200x128xf32, #tpu.memory_space<vmem>>
      %dma_start3A_692 = arith.constant 0 : i32
      %dma_start3A_693 = arith.constant 0 : i32
      %dma_start3A_694 = tpu.memref_slice %dma_start3A_691[%dma_start3A_692, %dma_start3A_693] : memref<200x128xf32, #tpu.memory_space<vmem>> -> memref<100x128xf32, #tpu.memory_space<vmem>>
      %dma_start3A_695 = arith.constant 0 : i32
      %dma_start3A_696 = tpu.memref_slice %arg5[%add3A_685, %dma_start3A_695] : memref<64x100xi32, #tpu.memory_space<vmem>> -> memref<1x100xi32, #tpu.memory_space<vmem>>
      %dma_start3A_697 = tpu.memref_squeeze %dma_start3A_696 : memref<1x100xi32, #tpu.memory_space<vmem>> -> memref<100xi32, #tpu.memory_space<vmem>>
      %dma_start3A_698 = arith.constant 0 : i32
      %dma_start3A_699 = arith.constant 0 : i32
      %dma_start3A_700 = tpu.memref_slice %arg2[%dma_start3A_698, %dma_start3A_699] : memref<10000x128xf32, #tpu.memory_space<hbm>> -> memref<10000x128xf32, #tpu.memory_space<hbm>>
      %dma_start3A_701 = tpu.memref_slice %arg7[%dma_start3A_687] : memref<4x!tpu.dma_semaphore, #tpu.memory_space<semaphore_mem>> -> memref<1x!tpu.dma_semaphore, #tpu.memory_space<semaphore_mem>>
      %dma_start3A_702 = tpu.memref_squeeze %dma_start3A_701 : memref<1x!tpu.dma_semaphore, #tpu.memory_space<semaphore_mem>> -> memref<!tpu.dma_semaphore, #tpu.memory_space<semaphore_mem>>
      tpu.enqueue_indirect_dma source(%dma_start3A_700 : memref<10000x128xf32, #tpu.memory_space<hbm>>) target(%dma_start3A_694 : memref<100x128xf32, #tpu.memory_space<vmem>>) offsets(%dma_start3A_697 : memref<100xi32, #tpu.memory_space<vmem>>) semaphore(%dma_start3A_702 : memref<!tpu.dma_semaphore, #tpu.memory_space<semaphore_mem>>)
      %mul3A_703 = arith.constant 2 : i32
      %mul3A_704 = arith.muli %add3A_681, %mul3A_703 : i32
      %add3A_705 = arith.constant 1 : i32
      %add3A_706 = arith.addi %mul3A_704, %add3A_705 : i32
      %dma_start3A_707 = arith.constant 1 : i32
      %dma_start3A_708 = arith.constant 1 : i32
      %dma_start3A_709 = arith.constant 0 : i32
      %dma_start3A_710 = arith.constant 0 : i32
      %dma_start3A_711 = tpu.memref_slice %arg6[%dma_start3A_707, %dma_start3A_709, %dma_start3A_710] : memref<4x200x128xf32, #tpu.memory_space<vmem>> -> memref<1x200x128xf32, #tpu.memory_space<vmem>>
      %dma_start3A_712 = tpu.memref_squeeze %dma_start3A_711 : memref<1x200x128xf32, #tpu.memory_space<vmem>> -> memref<200x128xf32, #tpu.memory_space<vmem>>
      %dma_start3A_713 = arith.constant 100 : i32
      %dma_start3A_714 = arith.constant 0 : i32
      %dma_start3A_715 = tpu.memref_slice %dma_start3A_712[%dma_start3A_713, %dma_start3A_714] : memref<200x128xf32, #tpu.memory_space<vmem>> -> memref<100x128xf32, #tpu.memory_space<vmem>>
      %dma_start3A_716 = arith.constant 0 : i32
      %dma_start3A_717 = tpu.memref_slice %arg5[%add3A_706, %dma_start3A_716] : memref<64x100xi32, #tpu.memory_space<vmem>> -> memref<1x100xi32, #tpu.memory_space<vmem>>
      %dma_start3A_718 = tpu.memref_squeeze %dma_start3A_717 : memref<1x100xi32, #tpu.memory_space<vmem>> -> memref<100xi32, #tpu.memory_space<vmem>>
      %dma_start3A_719 = arith.constant 0 : i32
      %dma_start3A_720 = arith.constant 0 : i32
      %dma_start3A_721 = tpu.memref_slice %arg2[%dma_start3A_719, %dma_start3A_720] : memref<10000x128xf32, #tpu.memory_space<hbm>> -> memref<10000x128xf32, #tpu.memory_space<hbm>>
      %dma_start3A_722 = tpu.memref_slice %arg7[%dma_start3A_708] : memref<4x!tpu.dma_semaphore, #tpu.memory_space<semaphore_mem>> -> memref<1x!tpu.dma_semaphore, #tpu.memory_space<semaphore_mem>>
      %dma_start3A_723 = tpu.memref_squeeze %dma_start3A_722 : memref<1x!tpu.dma_semaphore, #tpu.memory_space<semaphore_mem>> -> memref<!tpu.dma_semaphore, #tpu.memory_space<semaphore_mem>>
      tpu.enqueue_indirect_dma source(%dma_start3A_721 : memref<10000x128xf32, #tpu.memory_space<hbm>>) target(%dma_start3A_715 : memref<100x128xf32, #tpu.memory_space<vmem>>) offsets(%dma_start3A_718 : memref<100xi32, #tpu.memory_space<vmem>>) semaphore(%dma_start3A_723 : memref<!tpu.dma_semaphore, #tpu.memory_space<semaphore_mem>>)
      %add3A_724 = arith.constant 2 : i32
      %add3A_725 = arith.addi %add3A_401, %add3A_724 : i32
      %mul3A_726 = arith.constant 4 : i32
      %mul3A_727 = arith.muli %add3A_725, %mul3A_726 : i32
      %add3A_728 = arith.addi %mul3A_2, %mul3A_727 : i32
      %dma_wait3A_729 = arith.constant 2 : i32
      %dma_wait3A_730 = arith.constant 2 : i32
      %dma_wait3A_731 = arith.constant 0 : i32
      %dma_wait3A_732 = arith.constant 0 : i32
      %dma_wait3A_733 = tpu.memref_slice %arg6[%dma_wait3A_729, %dma_wait3A_731, %dma_wait3A_732] : memref<4x200x128xf32, #tpu.memory_space<vmem>> -> memref<1x200x128xf32, #tpu.memory_space<vmem>>
      %dma_wait3A_734 = tpu.memref_squeeze %dma_wait3A_733 : memref<1x200x128xf32, #tpu.memory_space<vmem>> -> memref<200x128xf32, #tpu.memory_space<vmem>>
      %dma_wait3A_735 = tpu.memref_reshape %dma_wait3A_734 : memref<200x128xf32, #tpu.memory_space<vmem>> -> memref<4x50x128xf32, #tpu.memory_space<vmem>>
      %dma_wait3A_736 = arith.constant 0 : i32
      %dma_wait3A_737 = arith.constant 0 : i32
      %dma_wait3A_738 = tpu.memref_slice %arg4[%add3A_728, %dma_wait3A_736, %dma_wait3A_737] : memref<4096x50x128xf32, #tpu.memory_space<hbm>> -> memref<4x50x128xf32, #tpu.memory_space<hbm>>
      %dma_wait3A_739 = tpu.memref_slice %arg8[%dma_wait3A_730] : memref<4x!tpu.dma_semaphore, #tpu.memory_space<semaphore_mem>> -> memref<1x!tpu.dma_semaphore, #tpu.memory_space<semaphore_mem>>
      %dma_wait3A_740 = tpu.memref_squeeze %dma_wait3A_739 : memref<1x!tpu.dma_semaphore, #tpu.memory_space<semaphore_mem>> -> memref<!tpu.dma_semaphore, #tpu.memory_space<semaphore_mem>>
      %dma_wait3A_741 = arith.constant 0 : i32
      %dma_wait3A_742 = arith.constant 0 : i32
      %dma_wait3A_743 = tpu.memref_slice %arg4[%add3A_728, %dma_wait3A_741, %dma_wait3A_742] : memref<4096x50x128xf32, #tpu.memory_space<hbm>> -> memref<4x50x128xf32, #tpu.memory_space<hbm>>
      %dma_wait3A_744 = arith.constant 0 : i32
      %dma_wait3A_745 = arith.constant 0 : i32
      %dma_wait3A_746 = tpu.memref_slice %arg6[%dma_wait3A_729, %dma_wait3A_744, %dma_wait3A_745] : memref<4x200x128xf32, #tpu.memory_space<vmem>> -> memref<1x200x128xf32, #tpu.memory_space<vmem>>
      %dma_wait3A_747 = tpu.memref_squeeze %dma_wait3A_746 : memref<1x200x128xf32, #tpu.memory_space<vmem>> -> memref<200x128xf32, #tpu.memory_space<vmem>>
      %dma_wait3A_748 = tpu.memref_reshape %dma_wait3A_747 : memref<200x128xf32, #tpu.memory_space<vmem>> -> memref<4x50x128xf32, #tpu.memory_space<vmem>>
      tpu.wait_dma2 semaphore(%dma_wait3A_740 : memref<!tpu.dma_semaphore, #tpu.memory_space<semaphore_mem>>) src(%dma_wait3A_748 : memref<4x50x128xf32, #tpu.memory_space<vmem>>) dst(%dma_wait3A_743 : memref<4x50x128xf32, #tpu.memory_space<hbm>>)
      %add3A_749 = arith.constant 2 : i32
      %add3A_750 = arith.addi %add3A_401, %add3A_749 : i32
      %add3A_751 = arith.constant 4 : i32
      %add3A_752 = arith.addi %add3A_750, %add3A_751 : i32
      %mul3A_753 = arith.constant 2 : i32
      %mul3A_754 = arith.muli %add3A_752, %mul3A_753 : i32
      %add3A_755 = arith.constant 0 : i32
      %add3A_756 = arith.addi %mul3A_754, %add3A_755 : i32
      %dma_start3A_757 = arith.constant 2 : i32
      %dma_start3A_758 = arith.constant 2 : i32
      %dma_start3A_759 = arith.constant 0 : i32
      %dma_start3A_760 = arith.constant 0 : i32
      %dma_start3A_761 = tpu.memref_slice %arg6[%dma_start3A_757, %dma_start3A_759, %dma_start3A_760] : memref<4x200x128xf32, #tpu.memory_space<vmem>> -> memref<1x200x128xf32, #tpu.memory_space<vmem>>
      %dma_start3A_762 = tpu.memref_squeeze %dma_start3A_761 : memref<1x200x128xf32, #tpu.memory_space<vmem>> -> memref<200x128xf32, #tpu.memory_space<vmem>>
      %dma_start3A_763 = arith.constant 0 : i32
      %dma_start3A_764 = arith.constant 0 : i32
      %dma_start3A_765 = tpu.memref_slice %dma_start3A_762[%dma_start3A_763, %dma_start3A_764] : memref<200x128xf32, #tpu.memory_space<vmem>> -> memref<100x128xf32, #tpu.memory_space<vmem>>
      %dma_start3A_766 = arith.constant 0 : i32
      %dma_start3A_767 = tpu.memref_slice %arg5[%add3A_756, %dma_start3A_766] : memref<64x100xi32, #tpu.memory_space<vmem>> -> memref<1x100xi32, #tpu.memory_space<vmem>>
      %dma_start3A_768 = tpu.memref_squeeze %dma_start3A_767 : memref<1x100xi32, #tpu.memory_space<vmem>> -> memref<100xi32, #tpu.memory_space<vmem>>
      %dma_start3A_769 = arith.constant 0 : i32
      %dma_start3A_770 = arith.constant 0 : i32
      %dma_start3A_771 = tpu.memref_slice %arg2[%dma_start3A_769, %dma_start3A_770] : memref<10000x128xf32, #tpu.memory_space<hbm>> -> memref<10000x128xf32, #tpu.memory_space<hbm>>
      %dma_start3A_772 = tpu.memref_slice %arg7[%dma_start3A_758] : memref<4x!tpu.dma_semaphore, #tpu.memory_space<semaphore_mem>> -> memref<1x!tpu.dma_semaphore, #tpu.memory_space<semaphore_mem>>
      %dma_start3A_773 = tpu.memref_squeeze %dma_start3A_772 : memref<1x!tpu.dma_semaphore, #tpu.memory_space<semaphore_mem>> -> memref<!tpu.dma_semaphore, #tpu.memory_space<semaphore_mem>>
      tpu.enqueue_indirect_dma source(%dma_start3A_771 : memref<10000x128xf32, #tpu.memory_space<hbm>>) target(%dma_start3A_765 : memref<100x128xf32, #tpu.memory_space<vmem>>) offsets(%dma_start3A_768 : memref<100xi32, #tpu.memory_space<vmem>>) semaphore(%dma_start3A_773 : memref<!tpu.dma_semaphore, #tpu.memory_space<semaphore_mem>>)
      %mul3A_774 = arith.constant 2 : i32
      %mul3A_775 = arith.muli %add3A_752, %mul3A_774 : i32
      %add3A_776 = arith.constant 1 : i32
      %add3A_777 = arith.addi %mul3A_775, %add3A_776 : i32
      %dma_start3A_778 = arith.constant 2 : i32
      %dma_start3A_779 = arith.constant 2 : i32
      %dma_start3A_780 = arith.constant 0 : i32
      %dma_start3A_781 = arith.constant 0 : i32
      %dma_start3A_782 = tpu.memref_slice %arg6[%dma_start3A_778, %dma_start3A_780, %dma_start3A_781] : memref<4x200x128xf32, #tpu.memory_space<vmem>> -> memref<1x200x128xf32, #tpu.memory_space<vmem>>
      %dma_start3A_783 = tpu.memref_squeeze %dma_start3A_782 : memref<1x200x128xf32, #tpu.memory_space<vmem>> -> memref<200x128xf32, #tpu.memory_space<vmem>>
      %dma_start3A_784 = arith.constant 100 : i32
      %dma_start3A_785 = arith.constant 0 : i32
      %dma_start3A_786 = tpu.memref_slice %dma_start3A_783[%dma_start3A_784, %dma_start3A_785] : memref<200x128xf32, #tpu.memory_space<vmem>> -> memref<100x128xf32, #tpu.memory_space<vmem>>
      %dma_start3A_787 = arith.constant 0 : i32
      %dma_start3A_788 = tpu.memref_slice %arg5[%add3A_777, %dma_start3A_787] : memref<64x100xi32, #tpu.memory_space<vmem>> -> memref<1x100xi32, #tpu.memory_space<vmem>>
      %dma_start3A_789 = tpu.memref_squeeze %dma_start3A_788 : memref<1x100xi32, #tpu.memory_space<vmem>> -> memref<100xi32, #tpu.memory_space<vmem>>
      %dma_start3A_790 = arith.constant 0 : i32
      %dma_start3A_791 = arith.constant 0 : i32
      %dma_start3A_792 = tpu.memref_slice %arg2[%dma_start3A_790, %dma_start3A_791] : memref<10000x128xf32, #tpu.memory_space<hbm>> -> memref<10000x128xf32, #tpu.memory_space<hbm>>
      %dma_start3A_793 = tpu.memref_slice %arg7[%dma_start3A_779] : memref<4x!tpu.dma_semaphore, #tpu.memory_space<semaphore_mem>> -> memref<1x!tpu.dma_semaphore, #tpu.memory_space<semaphore_mem>>
      %dma_start3A_794 = tpu.memref_squeeze %dma_start3A_793 : memref<1x!tpu.dma_semaphore, #tpu.memory_space<semaphore_mem>> -> memref<!tpu.dma_semaphore, #tpu.memory_space<semaphore_mem>>
      tpu.enqueue_indirect_dma source(%dma_start3A_792 : memref<10000x128xf32, #tpu.memory_space<hbm>>) target(%dma_start3A_786 : memref<100x128xf32, #tpu.memory_space<vmem>>) offsets(%dma_start3A_789 : memref<100xi32, #tpu.memory_space<vmem>>) semaphore(%dma_start3A_794 : memref<!tpu.dma_semaphore, #tpu.memory_space<semaphore_mem>>)
      %add3A_795 = arith.constant 3 : i32
      %add3A_796 = arith.addi %add3A_401, %add3A_795 : i32
      %mul3A_797 = arith.constant 4 : i32
      %mul3A_798 = arith.muli %add3A_796, %mul3A_797 : i32
      %add3A_799 = arith.addi %mul3A_2, %mul3A_798 : i32
      %dma_wait3A_800 = arith.constant 3 : i32
      %dma_wait3A_801 = arith.constant 3 : i32
      %dma_wait3A_802 = arith.constant 0 : i32
      %dma_wait3A_803 = arith.constant 0 : i32
      %dma_wait3A_804 = tpu.memref_slice %arg6[%dma_wait3A_800, %dma_wait3A_802, %dma_wait3A_803] : memref<4x200x128xf32, #tpu.memory_space<vmem>> -> memref<1x200x128xf32, #tpu.memory_space<vmem>>
      %dma_wait3A_805 = tpu.memref_squeeze %dma_wait3A_804 : memref<1x200x128xf32, #tpu.memory_space<vmem>> -> memref<200x128xf32, #tpu.memory_space<vmem>>
      %dma_wait3A_806 = tpu.memref_reshape %dma_wait3A_805 : memref<200x128xf32, #tpu.memory_space<vmem>> -> memref<4x50x128xf32, #tpu.memory_space<vmem>>
      %dma_wait3A_807 = arith.constant 0 : i32
      %dma_wait3A_808 = arith.constant 0 : i32
      %dma_wait3A_809 = tpu.memref_slice %arg4[%add3A_799, %dma_wait3A_807, %dma_wait3A_808] : memref<4096x50x128xf32, #tpu.memory_space<hbm>> -> memref<4x50x128xf32, #tpu.memory_space<hbm>>
      %dma_wait3A_810 = tpu.memref_slice %arg8[%dma_wait3A_801] : memref<4x!tpu.dma_semaphore, #tpu.memory_space<semaphore_mem>> -> memref<1x!tpu.dma_semaphore, #tpu.memory_space<semaphore_mem>>
      %dma_wait3A_811 = tpu.memref_squeeze %dma_wait3A_810 : memref<1x!tpu.dma_semaphore, #tpu.memory_space<semaphore_mem>> -> memref<!tpu.dma_semaphore, #tpu.memory_space<semaphore_mem>>
      %dma_wait3A_812 = arith.constant 0 : i32
      %dma_wait3A_813 = arith.constant 0 : i32
      %dma_wait3A_814 = tpu.memref_slice %arg4[%add3A_799, %dma_wait3A_812, %dma_wait3A_813] : memref<4096x50x128xf32, #tpu.memory_space<hbm>> -> memref<4x50x128xf32, #tpu.memory_space<hbm>>
      %dma_wait3A_815 = arith.constant 0 : i32
      %dma_wait3A_816 = arith.constant 0 : i32
      %dma_wait3A_817 = tpu.memref_slice %arg6[%dma_wait3A_800, %dma_wait3A_815, %dma_wait3A_816] : memref<4x200x128xf32, #tpu.memory_space<vmem>> -> memref<1x200x128xf32, #tpu.memory_space<vmem>>
      %dma_wait3A_818 = tpu.memref_squeeze %dma_wait3A_817 : memref<1x200x128xf32, #tpu.memory_space<vmem>> -> memref<200x128xf32, #tpu.memory_space<vmem>>
      %dma_wait3A_819 = tpu.memref_reshape %dma_wait3A_818 : memref<200x128xf32, #tpu.memory_space<vmem>> -> memref<4x50x128xf32, #tpu.memory_space<vmem>>
      tpu.wait_dma2 semaphore(%dma_wait3A_811 : memref<!tpu.dma_semaphore, #tpu.memory_space<semaphore_mem>>) src(%dma_wait3A_819 : memref<4x50x128xf32, #tpu.memory_space<vmem>>) dst(%dma_wait3A_814 : memref<4x50x128xf32, #tpu.memory_space<hbm>>)
      %add3A_820 = arith.constant 3 : i32
      %add3A_821 = arith.addi %add3A_401, %add3A_820 : i32
      %add3A_822 = arith.constant 4 : i32
      %add3A_823 = arith.addi %add3A_821, %add3A_822 : i32
      %mul3A_824 = arith.constant 2 : i32
      %mul3A_825 = arith.muli %add3A_823, %mul3A_824 : i32
      %add3A_826 = arith.constant 0 : i32
      %add3A_827 = arith.addi %mul3A_825, %add3A_826 : i32
      %dma_start3A_828 = arith.constant 3 : i32
      %dma_start3A_829 = arith.constant 3 : i32
      %dma_start3A_830 = arith.constant 0 : i32
      %dma_start3A_831 = arith.constant 0 : i32
      %dma_start3A_832 = tpu.memref_slice %arg6[%dma_start3A_828, %dma_start3A_830, %dma_start3A_831] : memref<4x200x128xf32, #tpu.memory_space<vmem>> -> memref<1x200x128xf32, #tpu.memory_space<vmem>>
      %dma_start3A_833 = tpu.memref_squeeze %dma_start3A_832 : memref<1x200x128xf32, #tpu.memory_space<vmem>> -> memref<200x128xf32, #tpu.memory_space<vmem>>
      %dma_start3A_834 = arith.constant 0 : i32
      %dma_start3A_835 = arith.constant 0 : i32
      %dma_start3A_836 = tpu.memref_slice %dma_start3A_833[%dma_start3A_834, %dma_start3A_835] : memref<200x128xf32, #tpu.memory_space<vmem>> -> memref<100x128xf32, #tpu.memory_space<vmem>>
      %dma_start3A_837 = arith.constant 0 : i32
      %dma_start3A_838 = tpu.memref_slice %arg5[%add3A_827, %dma_start3A_837] : memref<64x100xi32, #tpu.memory_space<vmem>> -> memref<1x100xi32, #tpu.memory_space<vmem>>
      %dma_start3A_839 = tpu.memref_squeeze %dma_start3A_838 : memref<1x100xi32, #tpu.memory_space<vmem>> -> memref<100xi32, #tpu.memory_space<vmem>>
      %dma_start3A_840 = arith.constant 0 : i32
      %dma_start3A_841 = arith.constant 0 : i32
      %dma_start3A_842 = tpu.memref_slice %arg2[%dma_start3A_840, %dma_start3A_841] : memref<10000x128xf32, #tpu.memory_space<hbm>> -> memref<10000x128xf32, #tpu.memory_space<hbm>>
      %dma_start3A_843 = tpu.memref_slice %arg7[%dma_start3A_829] : memref<4x!tpu.dma_semaphore, #tpu.memory_space<semaphore_mem>> -> memref<1x!tpu.dma_semaphore, #tpu.memory_space<semaphore_mem>>
      %dma_start3A_844 = tpu.memref_squeeze %dma_start3A_843 : memref<1x!tpu.dma_semaphore, #tpu.memory_space<semaphore_mem>> -> memref<!tpu.dma_semaphore, #tpu.memory_space<semaphore_mem>>
      tpu.enqueue_indirect_dma source(%dma_start3A_842 : memref<10000x128xf32, #tpu.memory_space<hbm>>) target(%dma_start3A_836 : memref<100x128xf32, #tpu.memory_space<vmem>>) offsets(%dma_start3A_839 : memref<100xi32, #tpu.memory_space<vmem>>) semaphore(%dma_start3A_844 : memref<!tpu.dma_semaphore, #tpu.memory_space<semaphore_mem>>)
      %mul3A_845 = arith.constant 2 : i32
      %mul3A_846 = arith.muli %add3A_823, %mul3A_845 : i32
      %add3A_847 = arith.constant 1 : i32
      %add3A_848 = arith.addi %mul3A_846, %add3A_847 : i32
      %dma_start3A_849 = arith.constant 3 : i32
      %dma_start3A_850 = arith.constant 3 : i32
      %dma_start3A_851 = arith.constant 0 : i32
      %dma_start3A_852 = arith.constant 0 : i32
      %dma_start3A_853 = tpu.memref_slice %arg6[%dma_start3A_849, %dma_start3A_851, %dma_start3A_852] : memref<4x200x128xf32, #tpu.memory_space<vmem>> -> memref<1x200x128xf32, #tpu.memory_space<vmem>>
      %dma_start3A_854 = tpu.memref_squeeze %dma_start3A_853 : memref<1x200x128xf32, #tpu.memory_space<vmem>> -> memref<200x128xf32, #tpu.memory_space<vmem>>
      %dma_start3A_855 = arith.constant 100 : i32
      %dma_start3A_856 = arith.constant 0 : i32
      %dma_start3A_857 = tpu.memref_slice %dma_start3A_854[%dma_start3A_855, %dma_start3A_856] : memref<200x128xf32, #tpu.memory_space<vmem>> -> memref<100x128xf32, #tpu.memory_space<vmem>>
      %dma_start3A_858 = arith.constant 0 : i32
      %dma_start3A_859 = tpu.memref_slice %arg5[%add3A_848, %dma_start3A_858] : memref<64x100xi32, #tpu.memory_space<vmem>> -> memref<1x100xi32, #tpu.memory_space<vmem>>
      %dma_start3A_860 = tpu.memref_squeeze %dma_start3A_859 : memref<1x100xi32, #tpu.memory_space<vmem>> -> memref<100xi32, #tpu.memory_space<vmem>>
      %dma_start3A_861 = arith.constant 0 : i32
      %dma_start3A_862 = arith.constant 0 : i32
      %dma_start3A_863 = tpu.memref_slice %arg2[%dma_start3A_861, %dma_start3A_862] : memref<10000x128xf32, #tpu.memory_space<hbm>> -> memref<10000x128xf32, #tpu.memory_space<hbm>>
      %dma_start3A_864 = tpu.memref_slice %arg7[%dma_start3A_850] : memref<4x!tpu.dma_semaphore, #tpu.memory_space<semaphore_mem>> -> memref<1x!tpu.dma_semaphore, #tpu.memory_space<semaphore_mem>>
      %dma_start3A_865 = tpu.memref_squeeze %dma_start3A_864 : memref<1x!tpu.dma_semaphore, #tpu.memory_space<semaphore_mem>> -> memref<!tpu.dma_semaphore, #tpu.memory_space<semaphore_mem>>
      tpu.enqueue_indirect_dma source(%dma_start3A_863 : memref<10000x128xf32, #tpu.memory_space<hbm>>) target(%dma_start3A_857 : memref<100x128xf32, #tpu.memory_space<vmem>>) offsets(%dma_start3A_860 : memref<100xi32, #tpu.memory_space<vmem>>) semaphore(%dma_start3A_865 : memref<!tpu.dma_semaphore, #tpu.memory_space<semaphore_mem>>)
    }
    %scan3A_149 = arith.constant 7 : i32
    %dma_wait3A = arith.constant 0 : i32
    %dma_wait3A_150 = arith.constant 0 : i32
    %dma_wait3A_151 = arith.constant 0 : i32
    %dma_wait3A_152 = arith.constant 0 : i32
    %dma_wait3A_153 = tpu.memref_slice %arg6[%dma_wait3A, %dma_wait3A_151, %dma_wait3A_152] : memref<4x200x128xf32, #tpu.memory_space<vmem>> -> memref<1x200x128xf32, #tpu.memory_space<vmem>>
    %dma_wait3A_154 = tpu.memref_squeeze %dma_wait3A_153 : memref<1x200x128xf32, #tpu.memory_space<vmem>> -> memref<200x128xf32, #tpu.memory_space<vmem>>
    %dma_wait3A_155 = arith.constant 0 : i32
    %dma_wait3A_156 = arith.constant 0 : i32
    %dma_wait3A_157 = tpu.memref_slice %arg2[%dma_wait3A_155, %dma_wait3A_156] : memref<10000x128xf32, #tpu.memory_space<hbm>> -> memref<200x128xf32, #tpu.memory_space<hbm>>
    %dma_wait3A_158 = tpu.memref_slice %arg7[%dma_wait3A_150] : memref<4x!tpu.dma_semaphore, #tpu.memory_space<semaphore_mem>> -> memref<1x!tpu.dma_semaphore, #tpu.memory_space<semaphore_mem>>
    %dma_wait3A_159 = tpu.memref_squeeze %dma_wait3A_158 : memref<1x!tpu.dma_semaphore, #tpu.memory_space<semaphore_mem>> -> memref<!tpu.dma_semaphore, #tpu.memory_space<semaphore_mem>>
    %dma_wait3A_160 = arith.constant 0 : i32
    %dma_wait3A_161 = arith.constant 0 : i32
    %dma_wait3A_162 = tpu.memref_slice %arg6[%dma_wait3A, %dma_wait3A_160, %dma_wait3A_161] : memref<4x200x128xf32, #tpu.memory_space<vmem>> -> memref<1x200x128xf32, #tpu.memory_space<vmem>>
    %dma_wait3A_163 = tpu.memref_squeeze %dma_wait3A_162 : memref<1x200x128xf32, #tpu.memory_space<vmem>> -> memref<200x128xf32, #tpu.memory_space<vmem>>
    %dma_wait3A_164 = arith.constant 0 : i32
    %dma_wait3A_165 = arith.constant 0 : i32
    %dma_wait3A_166 = tpu.memref_slice %arg2[%dma_wait3A_164, %dma_wait3A_165] : memref<10000x128xf32, #tpu.memory_space<hbm>> -> memref<200x128xf32, #tpu.memory_space<hbm>>
    tpu.wait_dma2 semaphore(%dma_wait3A_159 : memref<!tpu.dma_semaphore, #tpu.memory_space<semaphore_mem>>) src(%dma_wait3A_166 : memref<200x128xf32, #tpu.memory_space<hbm>>) dst(%dma_wait3A_163 : memref<200x128xf32, #tpu.memory_space<vmem>>)
    %add3A_167 = arith.constant 112 : i32
    %add3A_168 = arith.addi %mul3A_2, %add3A_167 : i32
    %dma_start3A_169 = arith.constant 0 : i32
    %dma_start3A_170 = arith.constant 0 : i32
    %dma_start3A_171 = arith.constant 0 : i32
    %dma_start3A_172 = arith.constant 0 : i32
    %dma_start3A_173 = tpu.memref_slice %arg6[%dma_start3A_169, %dma_start3A_171, %dma_start3A_172] : memref<4x200x128xf32, #tpu.memory_space<vmem>> -> memref<1x200x128xf32, #tpu.memory_space<vmem>>
    %dma_start3A_174 = tpu.memref_squeeze %dma_start3A_173 : memref<1x200x128xf32, #tpu.memory_space<vmem>> -> memref<200x128xf32, #tpu.memory_space<vmem>>
    %dma_start3A_175 = tpu.memref_reshape %dma_start3A_174 : memref<200x128xf32, #tpu.memory_space<vmem>> -> memref<4x50x128xf32, #tpu.memory_space<vmem>>
    %dma_start3A_176 = arith.constant 0 : i32
    %dma_start3A_177 = arith.constant 0 : i32
    %dma_start3A_178 = tpu.memref_slice %arg4[%add3A_168, %dma_start3A_176, %dma_start3A_177] : memref<4096x50x128xf32, #tpu.memory_space<hbm>> -> memref<4x50x128xf32, #tpu.memory_space<hbm>>
    %dma_start3A_179 = tpu.memref_slice %arg8[%dma_start3A_170] : memref<4x!tpu.dma_semaphore, #tpu.memory_space<semaphore_mem>> -> memref<1x!tpu.dma_semaphore, #tpu.memory_space<semaphore_mem>>
    %dma_start3A_180 = tpu.memref_squeeze %dma_start3A_179 : memref<1x!tpu.dma_semaphore, #tpu.memory_space<semaphore_mem>> -> memref<!tpu.dma_semaphore, #tpu.memory_space<semaphore_mem>>
    %dma_start3A_181 = arith.constant 0 : i32
    %dma_start3A_182 = arith.constant 0 : i32
    %dma_start3A_183 = tpu.memref_slice %arg4[%add3A_168, %dma_start3A_181, %dma_start3A_182] : memref<4096x50x128xf32, #tpu.memory_space<hbm>> -> memref<4x50x128xf32, #tpu.memory_space<hbm>>
    %dma_start3A_184 = arith.constant 0 : i32
    %dma_start3A_185 = arith.constant 0 : i32
    %dma_start3A_186 = tpu.memref_slice %arg6[%dma_start3A_169, %dma_start3A_184, %dma_start3A_185] : memref<4x200x128xf32, #tpu.memory_space<vmem>> -> memref<1x200x128xf32, #tpu.memory_space<vmem>>
    %dma_start3A_187 = tpu.memref_squeeze %dma_start3A_186 : memref<1x200x128xf32, #tpu.memory_space<vmem>> -> memref<200x128xf32, #tpu.memory_space<vmem>>
    %dma_start3A_188 = tpu.memref_reshape %dma_start3A_187 : memref<200x128xf32, #tpu.memory_space<vmem>> -> memref<4x50x128xf32, #tpu.memory_space<vmem>>
    tpu.enqueue_dma source(%dma_start3A_188 : memref<4x50x128xf32, #tpu.memory_space<vmem>>) target(%dma_start3A_183 : memref<4x50x128xf32, #tpu.memory_space<hbm>>) target_semaphore(%dma_start3A_180 : memref<!tpu.dma_semaphore, #tpu.memory_space<semaphore_mem>>)
    %dma_wait3A_189 = arith.constant 1 : i32
    %dma_wait3A_190 = arith.constant 1 : i32
    %dma_wait3A_191 = arith.constant 0 : i32
    %dma_wait3A_192 = arith.constant 0 : i32
    %dma_wait3A_193 = tpu.memref_slice %arg6[%dma_wait3A_189, %dma_wait3A_191, %dma_wait3A_192] : memref<4x200x128xf32, #tpu.memory_space<vmem>> -> memref<1x200x128xf32, #tpu.memory_space<vmem>>
    %dma_wait3A_194 = tpu.memref_squeeze %dma_wait3A_193 : memref<1x200x128xf32, #tpu.memory_space<vmem>> -> memref<200x128xf32, #tpu.memory_space<vmem>>
    %dma_wait3A_195 = arith.constant 0 : i32
    %dma_wait3A_196 = arith.constant 0 : i32
    %dma_wait3A_197 = tpu.memref_slice %arg2[%dma_wait3A_195, %dma_wait3A_196] : memref<10000x128xf32, #tpu.memory_space<hbm>> -> memref<200x128xf32, #tpu.memory_space<hbm>>
    %dma_wait3A_198 = tpu.memref_slice %arg7[%dma_wait3A_190] : memref<4x!tpu.dma_semaphore, #tpu.memory_space<semaphore_mem>> -> memref<1x!tpu.dma_semaphore, #tpu.memory_space<semaphore_mem>>
    %dma_wait3A_199 = tpu.memref_squeeze %dma_wait3A_198 : memref<1x!tpu.dma_semaphore, #tpu.memory_space<semaphore_mem>> -> memref<!tpu.dma_semaphore, #tpu.memory_space<semaphore_mem>>
    %dma_wait3A_200 = arith.constant 0 : i32
    %dma_wait3A_201 = arith.constant 0 : i32
    %dma_wait3A_202 = tpu.memref_slice %arg6[%dma_wait3A_189, %dma_wait3A_200, %dma_wait3A_201] : memref<4x200x128xf32, #tpu.memory_space<vmem>> -> memref<1x200x128xf32, #tpu.memory_space<vmem>>
    %dma_wait3A_203 = tpu.memref_squeeze %dma_wait3A_202 : memref<1x200x128xf32, #tpu.memory_space<vmem>> -> memref<200x128xf32, #tpu.memory_space<vmem>>
    %dma_wait3A_204 = arith.constant 0 : i32
    %dma_wait3A_205 = arith.constant 0 : i32
    %dma_wait3A_206 = tpu.memref_slice %arg2[%dma_wait3A_204, %dma_wait3A_205] : memref<10000x128xf32, #tpu.memory_space<hbm>> -> memref<200x128xf32, #tpu.memory_space<hbm>>
    tpu.wait_dma2 semaphore(%dma_wait3A_199 : memref<!tpu.dma_semaphore, #tpu.memory_space<semaphore_mem>>) src(%dma_wait3A_206 : memref<200x128xf32, #tpu.memory_space<hbm>>) dst(%dma_wait3A_203 : memref<200x128xf32, #tpu.memory_space<vmem>>)
    %add3A_207 = arith.constant 116 : i32
    %add3A_208 = arith.addi %mul3A_2, %add3A_207 : i32
    %dma_start3A_209 = arith.constant 1 : i32
    %dma_start3A_210 = arith.constant 1 : i32
    %dma_start3A_211 = arith.constant 0 : i32
    %dma_start3A_212 = arith.constant 0 : i32
    %dma_start3A_213 = tpu.memref_slice %arg6[%dma_start3A_209, %dma_start3A_211, %dma_start3A_212] : memref<4x200x128xf32, #tpu.memory_space<vmem>> -> memref<1x200x128xf32, #tpu.memory_space<vmem>>
    %dma_start3A_214 = tpu.memref_squeeze %dma_start3A_213 : memref<1x200x128xf32, #tpu.memory_space<vmem>> -> memref<200x128xf32, #tpu.memory_space<vmem>>
    %dma_start3A_215 = tpu.memref_reshape %dma_start3A_214 : memref<200x128xf32, #tpu.memory_space<vmem>> -> memref<4x50x128xf32, #tpu.memory_space<vmem>>
    %dma_start3A_216 = arith.constant 0 : i32
    %dma_start3A_217 = arith.constant 0 : i32
    %dma_start3A_218 = tpu.memref_slice %arg4[%add3A_208, %dma_start3A_216, %dma_start3A_217] : memref<4096x50x128xf32, #tpu.memory_space<hbm>> -> memref<4x50x128xf32, #tpu.memory_space<hbm>>
    %dma_start3A_219 = tpu.memref_slice %arg8[%dma_start3A_210] : memref<4x!tpu.dma_semaphore, #tpu.memory_space<semaphore_mem>> -> memref<1x!tpu.dma_semaphore, #tpu.memory_space<semaphore_mem>>
    %dma_start3A_220 = tpu.memref_squeeze %dma_start3A_219 : memref<1x!tpu.dma_semaphore, #tpu.memory_space<semaphore_mem>> -> memref<!tpu.dma_semaphore, #tpu.memory_space<semaphore_mem>>
    %dma_start3A_221 = arith.constant 0 : i32
    %dma_start3A_222 = arith.constant 0 : i32
    %dma_start3A_223 = tpu.memref_slice %arg4[%add3A_208, %dma_start3A_221, %dma_start3A_222] : memref<4096x50x128xf32, #tpu.memory_space<hbm>> -> memref<4x50x128xf32, #tpu.memory_space<hbm>>
    %dma_start3A_224 = arith.constant 0 : i32
    %dma_start3A_225 = arith.constant 0 : i32
    %dma_start3A_226 = tpu.memref_slice %arg6[%dma_start3A_209, %dma_start3A_224, %dma_start3A_225] : memref<4x200x128xf32, #tpu.memory_space<vmem>> -> memref<1x200x128xf32, #tpu.memory_space<vmem>>
    %dma_start3A_227 = tpu.memref_squeeze %dma_start3A_226 : memref<1x200x128xf32, #tpu.memory_space<vmem>> -> memref<200x128xf32, #tpu.memory_space<vmem>>
    %dma_start3A_228 = tpu.memref_reshape %dma_start3A_227 : memref<200x128xf32, #tpu.memory_space<vmem>> -> memref<4x50x128xf32, #tpu.memory_space<vmem>>
    tpu.enqueue_dma source(%dma_start3A_228 : memref<4x50x128xf32, #tpu.memory_space<vmem>>) target(%dma_start3A_223 : memref<4x50x128xf32, #tpu.memory_space<hbm>>) target_semaphore(%dma_start3A_220 : memref<!tpu.dma_semaphore, #tpu.memory_space<semaphore_mem>>)
    %dma_wait3A_229 = arith.constant 2 : i32
    %dma_wait3A_230 = arith.constant 2 : i32
    %dma_wait3A_231 = arith.constant 0 : i32
    %dma_wait3A_232 = arith.constant 0 : i32
    %dma_wait3A_233 = tpu.memref_slice %arg6[%dma_wait3A_229, %dma_wait3A_231, %dma_wait3A_232] : memref<4x200x128xf32, #tpu.memory_space<vmem>> -> memref<1x200x128xf32, #tpu.memory_space<vmem>>
    %dma_wait3A_234 = tpu.memref_squeeze %dma_wait3A_233 : memref<1x200x128xf32, #tpu.memory_space<vmem>> -> memref<200x128xf32, #tpu.memory_space<vmem>>
    %dma_wait3A_235 = arith.constant 0 : i32
    %dma_wait3A_236 = arith.constant 0 : i32
    %dma_wait3A_237 = tpu.memref_slice %arg2[%dma_wait3A_235, %dma_wait3A_236] : memref<10000x128xf32, #tpu.memory_space<hbm>> -> memref<200x128xf32, #tpu.memory_space<hbm>>
    %dma_wait3A_238 = tpu.memref_slice %arg7[%dma_wait3A_230] : memref<4x!tpu.dma_semaphore, #tpu.memory_space<semaphore_mem>> -> memref<1x!tpu.dma_semaphore, #tpu.memory_space<semaphore_mem>>
    %dma_wait3A_239 = tpu.memref_squeeze %dma_wait3A_238 : memref<1x!tpu.dma_semaphore, #tpu.memory_space<semaphore_mem>> -> memref<!tpu.dma_semaphore, #tpu.memory_space<semaphore_mem>>
    %dma_wait3A_240 = arith.constant 0 : i32
    %dma_wait3A_241 = arith.constant 0 : i32
    %dma_wait3A_242 = tpu.memref_slice %arg6[%dma_wait3A_229, %dma_wait3A_240, %dma_wait3A_241] : memref<4x200x128xf32, #tpu.memory_space<vmem>> -> memref<1x200x128xf32, #tpu.memory_space<vmem>>
    %dma_wait3A_243 = tpu.memref_squeeze %dma_wait3A_242 : memref<1x200x128xf32, #tpu.memory_space<vmem>> -> memref<200x128xf32, #tpu.memory_space<vmem>>
    %dma_wait3A_244 = arith.constant 0 : i32
    %dma_wait3A_245 = arith.constant 0 : i32
    %dma_wait3A_246 = tpu.memref_slice %arg2[%dma_wait3A_244, %dma_wait3A_245] : memref<10000x128xf32, #tpu.memory_space<hbm>> -> memref<200x128xf32, #tpu.memory_space<hbm>>
    tpu.wait_dma2 semaphore(%dma_wait3A_239 : memref<!tpu.dma_semaphore, #tpu.memory_space<semaphore_mem>>) src(%dma_wait3A_246 : memref<200x128xf32, #tpu.memory_space<hbm>>) dst(%dma_wait3A_243 : memref<200x128xf32, #tpu.memory_space<vmem>>)
    %add3A_247 = arith.constant 120 : i32
    %add3A_248 = arith.addi %mul3A_2, %add3A_247 : i32
    %dma_start3A_249 = arith.constant 2 : i32
    %dma_start3A_250 = arith.constant 2 : i32
    %dma_start3A_251 = arith.constant 0 : i32
    %dma_start3A_252 = arith.constant 0 : i32
    %dma_start3A_253 = tpu.memref_slice %arg6[%dma_start3A_249, %dma_start3A_251, %dma_start3A_252] : memref<4x200x128xf32, #tpu.memory_space<vmem>> -> memref<1x200x128xf32, #tpu.memory_space<vmem>>
    %dma_start3A_254 = tpu.memref_squeeze %dma_start3A_253 : memref<1x200x128xf32, #tpu.memory_space<vmem>> -> memref<200x128xf32, #tpu.memory_space<vmem>>
    %dma_start3A_255 = tpu.memref_reshape %dma_start3A_254 : memref<200x128xf32, #tpu.memory_space<vmem>> -> memref<4x50x128xf32, #tpu.memory_space<vmem>>
    %dma_start3A_256 = arith.constant 0 : i32
    %dma_start3A_257 = arith.constant 0 : i32
    %dma_start3A_258 = tpu.memref_slice %arg4[%add3A_248, %dma_start3A_256, %dma_start3A_257] : memref<4096x50x128xf32, #tpu.memory_space<hbm>> -> memref<4x50x128xf32, #tpu.memory_space<hbm>>
    %dma_start3A_259 = tpu.memref_slice %arg8[%dma_start3A_250] : memref<4x!tpu.dma_semaphore, #tpu.memory_space<semaphore_mem>> -> memref<1x!tpu.dma_semaphore, #tpu.memory_space<semaphore_mem>>
    %dma_start3A_260 = tpu.memref_squeeze %dma_start3A_259 : memref<1x!tpu.dma_semaphore, #tpu.memory_space<semaphore_mem>> -> memref<!tpu.dma_semaphore, #tpu.memory_space<semaphore_mem>>
    %dma_start3A_261 = arith.constant 0 : i32
    %dma_start3A_262 = arith.constant 0 : i32
    %dma_start3A_263 = tpu.memref_slice %arg4[%add3A_248, %dma_start3A_261, %dma_start3A_262] : memref<4096x50x128xf32, #tpu.memory_space<hbm>> -> memref<4x50x128xf32, #tpu.memory_space<hbm>>
    %dma_start3A_264 = arith.constant 0 : i32
    %dma_start3A_265 = arith.constant 0 : i32
    %dma_start3A_266 = tpu.memref_slice %arg6[%dma_start3A_249, %dma_start3A_264, %dma_start3A_265] : memref<4x200x128xf32, #tpu.memory_space<vmem>> -> memref<1x200x128xf32, #tpu.memory_space<vmem>>
    %dma_start3A_267 = tpu.memref_squeeze %dma_start3A_266 : memref<1x200x128xf32, #tpu.memory_space<vmem>> -> memref<200x128xf32, #tpu.memory_space<vmem>>
    %dma_start3A_268 = tpu.memref_reshape %dma_start3A_267 : memref<200x128xf32, #tpu.memory_space<vmem>> -> memref<4x50x128xf32, #tpu.memory_space<vmem>>
    tpu.enqueue_dma source(%dma_start3A_268 : memref<4x50x128xf32, #tpu.memory_space<vmem>>) target(%dma_start3A_263 : memref<4x50x128xf32, #tpu.memory_space<hbm>>) target_semaphore(%dma_start3A_260 : memref<!tpu.dma_semaphore, #tpu.memory_space<semaphore_mem>>)
    %dma_wait3A_269 = arith.constant 3 : i32
    %dma_wait3A_270 = arith.constant 3 : i32
    %dma_wait3A_271 = arith.constant 0 : i32
    %dma_wait3A_272 = arith.constant 0 : i32
    %dma_wait3A_273 = tpu.memref_slice %arg6[%dma_wait3A_269, %dma_wait3A_271, %dma_wait3A_272] : memref<4x200x128xf32, #tpu.memory_space<vmem>> -> memref<1x200x128xf32, #tpu.memory_space<vmem>>
    %dma_wait3A_274 = tpu.memref_squeeze %dma_wait3A_273 : memref<1x200x128xf32, #tpu.memory_space<vmem>> -> memref<200x128xf32, #tpu.memory_space<vmem>>
    %dma_wait3A_275 = arith.constant 0 : i32
    %dma_wait3A_276 = arith.constant 0 : i32
    %dma_wait3A_277 = tpu.memref_slice %arg2[%dma_wait3A_275, %dma_wait3A_276] : memref<10000x128xf32, #tpu.memory_space<hbm>> -> memref<200x128xf32, #tpu.memory_space<hbm>>
    %dma_wait3A_278 = tpu.memref_slice %arg7[%dma_wait3A_270] : memref<4x!tpu.dma_semaphore, #tpu.memory_space<semaphore_mem>> -> memref<1x!tpu.dma_semaphore, #tpu.memory_space<semaphore_mem>>
    %dma_wait3A_279 = tpu.memref_squeeze %dma_wait3A_278 : memref<1x!tpu.dma_semaphore, #tpu.memory_space<semaphore_mem>> -> memref<!tpu.dma_semaphore, #tpu.memory_space<semaphore_mem>>
    %dma_wait3A_280 = arith.constant 0 : i32
    %dma_wait3A_281 = arith.constant 0 : i32
    %dma_wait3A_282 = tpu.memref_slice %arg6[%dma_wait3A_269, %dma_wait3A_280, %dma_wait3A_281] : memref<4x200x128xf32, #tpu.memory_space<vmem>> -> memref<1x200x128xf32, #tpu.memory_space<vmem>>
    %dma_wait3A_283 = tpu.memref_squeeze %dma_wait3A_282 : memref<1x200x128xf32, #tpu.memory_space<vmem>> -> memref<200x128xf32, #tpu.memory_space<vmem>>
    %dma_wait3A_284 = arith.constant 0 : i32
    %dma_wait3A_285 = arith.constant 0 : i32
    %dma_wait3A_286 = tpu.memref_slice %arg2[%dma_wait3A_284, %dma_wait3A_285] : memref<10000x128xf32, #tpu.memory_space<hbm>> -> memref<200x128xf32, #tpu.memory_space<hbm>>
    tpu.wait_dma2 semaphore(%dma_wait3A_279 : memref<!tpu.dma_semaphore, #tpu.memory_space<semaphore_mem>>) src(%dma_wait3A_286 : memref<200x128xf32, #tpu.memory_space<hbm>>) dst(%dma_wait3A_283 : memref<200x128xf32, #tpu.memory_space<vmem>>)
    %add3A_287 = arith.constant 124 : i32
    %add3A_288 = arith.addi %mul3A_2, %add3A_287 : i32
    %dma_start3A_289 = arith.constant 3 : i32
    %dma_start3A_290 = arith.constant 3 : i32
    %dma_start3A_291 = arith.constant 0 : i32
    %dma_start3A_292 = arith.constant 0 : i32
    %dma_start3A_293 = tpu.memref_slice %arg6[%dma_start3A_289, %dma_start3A_291, %dma_start3A_292] : memref<4x200x128xf32, #tpu.memory_space<vmem>> -> memref<1x200x128xf32, #tpu.memory_space<vmem>>
    %dma_start3A_294 = tpu.memref_squeeze %dma_start3A_293 : memref<1x200x128xf32, #tpu.memory_space<vmem>> -> memref<200x128xf32, #tpu.memory_space<vmem>>
    %dma_start3A_295 = tpu.memref_reshape %dma_start3A_294 : memref<200x128xf32, #tpu.memory_space<vmem>> -> memref<4x50x128xf32, #tpu.memory_space<vmem>>
    %dma_start3A_296 = arith.constant 0 : i32
    %dma_start3A_297 = arith.constant 0 : i32
    %dma_start3A_298 = tpu.memref_slice %arg4[%add3A_288, %dma_start3A_296, %dma_start3A_297] : memref<4096x50x128xf32, #tpu.memory_space<hbm>> -> memref<4x50x128xf32, #tpu.memory_space<hbm>>
    %dma_start3A_299 = tpu.memref_slice %arg8[%dma_start3A_290] : memref<4x!tpu.dma_semaphore, #tpu.memory_space<semaphore_mem>> -> memref<1x!tpu.dma_semaphore, #tpu.memory_space<semaphore_mem>>
    %dma_start3A_300 = tpu.memref_squeeze %dma_start3A_299 : memref<1x!tpu.dma_semaphore, #tpu.memory_space<semaphore_mem>> -> memref<!tpu.dma_semaphore, #tpu.memory_space<semaphore_mem>>
    %dma_start3A_301 = arith.constant 0 : i32
    %dma_start3A_302 = arith.constant 0 : i32
    %dma_start3A_303 = tpu.memref_slice %arg4[%add3A_288, %dma_start3A_301, %dma_start3A_302] : memref<4096x50x128xf32, #tpu.memory_space<hbm>> -> memref<4x50x128xf32, #tpu.memory_space<hbm>>
    %dma_start3A_304 = arith.constant 0 : i32
    %dma_start3A_305 = arith.constant 0 : i32
    %dma_start3A_306 = tpu.memref_slice %arg6[%dma_start3A_289, %dma_start3A_304, %dma_start3A_305] : memref<4x200x128xf32, #tpu.memory_space<vmem>> -> memref<1x200x128xf32, #tpu.memory_space<vmem>>
    %dma_start3A_307 = tpu.memref_squeeze %dma_start3A_306 : memref<1x200x128xf32, #tpu.memory_space<vmem>> -> memref<200x128xf32, #tpu.memory_space<vmem>>
    %dma_start3A_308 = tpu.memref_reshape %dma_start3A_307 : memref<200x128xf32, #tpu.memory_space<vmem>> -> memref<4x50x128xf32, #tpu.memory_space<vmem>>
    tpu.enqueue_dma source(%dma_start3A_308 : memref<4x50x128xf32, #tpu.memory_space<vmem>>) target(%dma_start3A_303 : memref<4x50x128xf32, #tpu.memory_space<hbm>>) target_semaphore(%dma_start3A_300 : memref<!tpu.dma_semaphore, #tpu.memory_space<semaphore_mem>>)
    %add3A_309 = arith.constant 112 : i32
    %add3A_310 = arith.addi %mul3A_2, %add3A_309 : i32
    %dma_wait3A_311 = arith.constant 0 : i32
    %dma_wait3A_312 = arith.constant 0 : i32
    %dma_wait3A_313 = arith.constant 0 : i32
    %dma_wait3A_314 = arith.constant 0 : i32
    %dma_wait3A_315 = tpu.memref_slice %arg6[%dma_wait3A_311, %dma_wait3A_313, %dma_wait3A_314] : memref<4x200x128xf32, #tpu.memory_space<vmem>> -> memref<1x200x128xf32, #tpu.memory_space<vmem>>
    %dma_wait3A_316 = tpu.memref_squeeze %dma_wait3A_315 : memref<1x200x128xf32, #tpu.memory_space<vmem>> -> memref<200x128xf32, #tpu.memory_space<vmem>>
    %dma_wait3A_317 = tpu.memref_reshape %dma_wait3A_316 : memref<200x128xf32, #tpu.memory_space<vmem>> -> memref<4x50x128xf32, #tpu.memory_space<vmem>>
    %dma_wait3A_318 = arith.constant 0 : i32
    %dma_wait3A_319 = arith.constant 0 : i32
    %dma_wait3A_320 = tpu.memref_slice %arg4[%add3A_310, %dma_wait3A_318, %dma_wait3A_319] : memref<4096x50x128xf32, #tpu.memory_space<hbm>> -> memref<4x50x128xf32, #tpu.memory_space<hbm>>
    %dma_wait3A_321 = tpu.memref_slice %arg8[%dma_wait3A_312] : memref<4x!tpu.dma_semaphore, #tpu.memory_space<semaphore_mem>> -> memref<1x!tpu.dma_semaphore, #tpu.memory_space<semaphore_mem>>
    %dma_wait3A_322 = tpu.memref_squeeze %dma_wait3A_321 : memref<1x!tpu.dma_semaphore, #tpu.memory_space<semaphore_mem>> -> memref<!tpu.dma_semaphore, #tpu.memory_space<semaphore_mem>>
    %dma_wait3A_323 = arith.constant 0 : i32
    %dma_wait3A_324 = arith.constant 0 : i32
    %dma_wait3A_325 = tpu.memref_slice %arg4[%add3A_310, %dma_wait3A_323, %dma_wait3A_324] : memref<4096x50x128xf32, #tpu.memory_space<hbm>> -> memref<4x50x128xf32, #tpu.memory_space<hbm>>
    %dma_wait3A_326 = arith.constant 0 : i32
    %dma_wait3A_327 = arith.constant 0 : i32
    %dma_wait3A_328 = tpu.memref_slice %arg6[%dma_wait3A_311, %dma_wait3A_326, %dma_wait3A_327] : memref<4x200x128xf32, #tpu.memory_space<vmem>> -> memref<1x200x128xf32, #tpu.memory_space<vmem>>
    %dma_wait3A_329 = tpu.memref_squeeze %dma_wait3A_328 : memref<1x200x128xf32, #tpu.memory_space<vmem>> -> memref<200x128xf32, #tpu.memory_space<vmem>>
    %dma_wait3A_330 = tpu.memref_reshape %dma_wait3A_329 : memref<200x128xf32, #tpu.memory_space<vmem>> -> memref<4x50x128xf32, #tpu.memory_space<vmem>>
    tpu.wait_dma2 semaphore(%dma_wait3A_322 : memref<!tpu.dma_semaphore, #tpu.memory_space<semaphore_mem>>) src(%dma_wait3A_330 : memref<4x50x128xf32, #tpu.memory_space<vmem>>) dst(%dma_wait3A_325 : memref<4x50x128xf32, #tpu.memory_space<hbm>>)
    %add3A_331 = arith.constant 116 : i32
    %add3A_332 = arith.addi %mul3A_2, %add3A_331 : i32
    %dma_wait3A_333 = arith.constant 1 : i32
    %dma_wait3A_334 = arith.constant 1 : i32
    %dma_wait3A_335 = arith.constant 0 : i32
    %dma_wait3A_336 = arith.constant 0 : i32
    %dma_wait3A_337 = tpu.memref_slice %arg6[%dma_wait3A_333, %dma_wait3A_335, %dma_wait3A_336] : memref<4x200x128xf32, #tpu.memory_space<vmem>> -> memref<1x200x128xf32, #tpu.memory_space<vmem>>
    %dma_wait3A_338 = tpu.memref_squeeze %dma_wait3A_337 : memref<1x200x128xf32, #tpu.memory_space<vmem>> -> memref<200x128xf32, #tpu.memory_space<vmem>>
    %dma_wait3A_339 = tpu.memref_reshape %dma_wait3A_338 : memref<200x128xf32, #tpu.memory_space<vmem>> -> memref<4x50x128xf32, #tpu.memory_space<vmem>>
    %dma_wait3A_340 = arith.constant 0 : i32
    %dma_wait3A_341 = arith.constant 0 : i32
    %dma_wait3A_342 = tpu.memref_slice %arg4[%add3A_332, %dma_wait3A_340, %dma_wait3A_341] : memref<4096x50x128xf32, #tpu.memory_space<hbm>> -> memref<4x50x128xf32, #tpu.memory_space<hbm>>
    %dma_wait3A_343 = tpu.memref_slice %arg8[%dma_wait3A_334] : memref<4x!tpu.dma_semaphore, #tpu.memory_space<semaphore_mem>> -> memref<1x!tpu.dma_semaphore, #tpu.memory_space<semaphore_mem>>
    %dma_wait3A_344 = tpu.memref_squeeze %dma_wait3A_343 : memref<1x!tpu.dma_semaphore, #tpu.memory_space<semaphore_mem>> -> memref<!tpu.dma_semaphore, #tpu.memory_space<semaphore_mem>>
    %dma_wait3A_345 = arith.constant 0 : i32
    %dma_wait3A_346 = arith.constant 0 : i32
    %dma_wait3A_347 = tpu.memref_slice %arg4[%add3A_332, %dma_wait3A_345, %dma_wait3A_346] : memref<4096x50x128xf32, #tpu.memory_space<hbm>> -> memref<4x50x128xf32, #tpu.memory_space<hbm>>
    %dma_wait3A_348 = arith.constant 0 : i32
    %dma_wait3A_349 = arith.constant 0 : i32
    %dma_wait3A_350 = tpu.memref_slice %arg6[%dma_wait3A_333, %dma_wait3A_348, %dma_wait3A_349] : memref<4x200x128xf32, #tpu.memory_space<vmem>> -> memref<1x200x128xf32, #tpu.memory_space<vmem>>
    %dma_wait3A_351 = tpu.memref_squeeze %dma_wait3A_350 : memref<1x200x128xf32, #tpu.memory_space<vmem>> -> memref<200x128xf32, #tpu.memory_space<vmem>>
    %dma_wait3A_352 = tpu.memref_reshape %dma_wait3A_351 : memref<200x128xf32, #tpu.memory_space<vmem>> -> memref<4x50x128xf32, #tpu.memory_space<vmem>>
    tpu.wait_dma2 semaphore(%dma_wait3A_344 : memref<!tpu.dma_semaphore, #tpu.memory_space<semaphore_mem>>) src(%dma_wait3A_352 : memref<4x50x128xf32, #tpu.memory_space<vmem>>) dst(%dma_wait3A_347 : memref<4x50x128xf32, #tpu.memory_space<hbm>>)
    %add3A_353 = arith.constant 120 : i32
    %add3A_354 = arith.addi %mul3A_2, %add3A_353 : i32
    %dma_wait3A_355 = arith.constant 2 : i32
    %dma_wait3A_356 = arith.constant 2 : i32
    %dma_wait3A_357 = arith.constant 0 : i32
    %dma_wait3A_358 = arith.constant 0 : i32
    %dma_wait3A_359 = tpu.memref_slice %arg6[%dma_wait3A_355, %dma_wait3A_357, %dma_wait3A_358] : memref<4x200x128xf32, #tpu.memory_space<vmem>> -> memref<1x200x128xf32, #tpu.memory_space<vmem>>
    %dma_wait3A_360 = tpu.memref_squeeze %dma_wait3A_359 : memref<1x200x128xf32, #tpu.memory_space<vmem>> -> memref<200x128xf32, #tpu.memory_space<vmem>>
    %dma_wait3A_361 = tpu.memref_reshape %dma_wait3A_360 : memref<200x128xf32, #tpu.memory_space<vmem>> -> memref<4x50x128xf32, #tpu.memory_space<vmem>>
    %dma_wait3A_362 = arith.constant 0 : i32
    %dma_wait3A_363 = arith.constant 0 : i32
    %dma_wait3A_364 = tpu.memref_slice %arg4[%add3A_354, %dma_wait3A_362, %dma_wait3A_363] : memref<4096x50x128xf32, #tpu.memory_space<hbm>> -> memref<4x50x128xf32, #tpu.memory_space<hbm>>
    %dma_wait3A_365 = tpu.memref_slice %arg8[%dma_wait3A_356] : memref<4x!tpu.dma_semaphore, #tpu.memory_space<semaphore_mem>> -> memref<1x!tpu.dma_semaphore, #tpu.memory_space<semaphore_mem>>
    %dma_wait3A_366 = tpu.memref_squeeze %dma_wait3A_365 : memref<1x!tpu.dma_semaphore, #tpu.memory_space<semaphore_mem>> -> memref<!tpu.dma_semaphore, #tpu.memory_space<semaphore_mem>>
    %dma_wait3A_367 = arith.constant 0 : i32
    %dma_wait3A_368 = arith.constant 0 : i32
    %dma_wait3A_369 = tpu.memref_slice %arg4[%add3A_354, %dma_wait3A_367, %dma_wait3A_368] : memref<4096x50x128xf32, #tpu.memory_space<hbm>> -> memref<4x50x128xf32, #tpu.memory_space<hbm>>
    %dma_wait3A_370 = arith.constant 0 : i32
    %dma_wait3A_371 = arith.constant 0 : i32
    %dma_wait3A_372 = tpu.memref_slice %arg6[%dma_wait3A_355, %dma_wait3A_370, %dma_wait3A_371] : memref<4x200x128xf32, #tpu.memory_space<vmem>> -> memref<1x200x128xf32, #tpu.memory_space<vmem>>
    %dma_wait3A_373 = tpu.memref_squeeze %dma_wait3A_372 : memref<1x200x128xf32, #tpu.memory_space<vmem>> -> memref<200x128xf32, #tpu.memory_space<vmem>>
    %dma_wait3A_374 = tpu.memref_reshape %dma_wait3A_373 : memref<200x128xf32, #tpu.memory_space<vmem>> -> memref<4x50x128xf32, #tpu.memory_space<vmem>>
    tpu.wait_dma2 semaphore(%dma_wait3A_366 : memref<!tpu.dma_semaphore, #tpu.memory_space<semaphore_mem>>) src(%dma_wait3A_374 : memref<4x50x128xf32, #tpu.memory_space<vmem>>) dst(%dma_wait3A_369 : memref<4x50x128xf32, #tpu.memory_space<hbm>>)
    %add3A_375 = arith.constant 124 : i32
    %add3A_376 = arith.addi %mul3A_2, %add3A_375 : i32
    %dma_wait3A_377 = arith.constant 3 : i32
    %dma_wait3A_378 = arith.constant 3 : i32
    %dma_wait3A_379 = arith.constant 0 : i32
    %dma_wait3A_380 = arith.constant 0 : i32
    %dma_wait3A_381 = tpu.memref_slice %arg6[%dma_wait3A_377, %dma_wait3A_379, %dma_wait3A_380] : memref<4x200x128xf32, #tpu.memory_space<vmem>> -> memref<1x200x128xf32, #tpu.memory_space<vmem>>
    %dma_wait3A_382 = tpu.memref_squeeze %dma_wait3A_381 : memref<1x200x128xf32, #tpu.memory_space<vmem>> -> memref<200x128xf32, #tpu.memory_space<vmem>>
    %dma_wait3A_383 = tpu.memref_reshape %dma_wait3A_382 : memref<200x128xf32, #tpu.memory_space<vmem>> -> memref<4x50x128xf32, #tpu.memory_space<vmem>>
    %dma_wait3A_384 = arith.constant 0 : i32
    %dma_wait3A_385 = arith.constant 0 : i32
    %dma_wait3A_386 = tpu.memref_slice %arg4[%add3A_376, %dma_wait3A_384, %dma_wait3A_385] : memref<4096x50x128xf32, #tpu.memory_space<hbm>> -> memref<4x50x128xf32, #tpu.memory_space<hbm>>
    %dma_wait3A_387 = tpu.memref_slice %arg8[%dma_wait3A_378] : memref<4x!tpu.dma_semaphore, #tpu.memory_space<semaphore_mem>> -> memref<1x!tpu.dma_semaphore, #tpu.memory_space<semaphore_mem>>
    %dma_wait3A_388 = tpu.memref_squeeze %dma_wait3A_387 : memref<1x!tpu.dma_semaphore, #tpu.memory_space<semaphore_mem>> -> memref<!tpu.dma_semaphore, #tpu.memory_space<semaphore_mem>>
    %dma_wait3A_389 = arith.constant 0 : i32
    %dma_wait3A_390 = arith.constant 0 : i32
    %dma_wait3A_391 = tpu.memref_slice %arg4[%add3A_376, %dma_wait3A_389, %dma_wait3A_390] : memref<4096x50x128xf32, #tpu.memory_space<hbm>> -> memref<4x50x128xf32, #tpu.memory_space<hbm>>
    %dma_wait3A_392 = arith.constant 0 : i32
    %dma_wait3A_393 = arith.constant 0 : i32
    %dma_wait3A_394 = tpu.memref_slice %arg6[%dma_wait3A_377, %dma_wait3A_392, %dma_wait3A_393] : memref<4x200x128xf32, #tpu.memory_space<vmem>> -> memref<1x200x128xf32, #tpu.memory_space<vmem>>
    %dma_wait3A_395 = tpu.memref_squeeze %dma_wait3A_394 : memref<1x200x128xf32, #tpu.memory_space<vmem>> -> memref<200x128xf32, #tpu.memory_space<vmem>>
    %dma_wait3A_396 = tpu.memref_reshape %dma_wait3A_395 : memref<200x128xf32, #tpu.memory_space<vmem>> -> memref<4x50x128xf32, #tpu.memory_space<vmem>>
    tpu.wait_dma2 semaphore(%dma_wait3A_388 : memref<!tpu.dma_semaphore, #tpu.memory_space<semaphore_mem>>) src(%dma_wait3A_396 : memref<4x50x128xf32, #tpu.memory_space<vmem>>) dst(%dma_wait3A_391 : memref<4x50x128xf32, #tpu.memory_space<hbm>>)
    return
  }
}

module attributes {stable_mosaic.version = 14 : i64} {
  func.func @_fold_body(%arg0: i32, %arg1: memref<1000x128xf32, #tpu.memory_space<vmem>>, %arg2: memref<128x128xf32, #tpu.memory_space<vmem>>, %arg3: memref<1x128xf32, #tpu.memory_space<vmem>>, %arg4: memref<1000x128xf32, #tpu.memory_space<vmem>>) attributes {dimension_semantics = [#tpu.dimension_semantics<arbitrary>], iteration_bounds = array<i64: 10>, scalar_prefetch = 0 : i64, scratch_operands = 0 : i64, tpu.core_type = #tpu.core_type<tc>, window_params = [{transform_indices = @transform_0, window_bounds = array<i64: 1000, 128>}, {pipeline_mode = #tpu.pipeline_mode<synchronous>, transform_indices = @transform_1, window_bounds = array<i64: 128, 128>}, {pipeline_mode = #tpu.pipeline_mode<synchronous>, transform_indices = @transform_2, window_bounds = array<i64: 1, 128>}, {transform_indices = @transform_3, window_bounds = array<i64: 1000, 128>}]} {
    %get3A = arith.constant 0 : index
    %get3A_0 = arith.constant 0 : index
    %get3A_1 = vector.load %arg1[%get3A, %get3A_0] : memref<1000x128xf32, #tpu.memory_space<vmem>>, vector<1000x128xf32>
    %get3A_2 = arith.constant 0 : index
    %get3A_3 = arith.constant 0 : index
    %get3A_4 = vector.load %arg2[%get3A_2, %get3A_3] : memref<128x128xf32, #tpu.memory_space<vmem>>, vector<128x128xf32>
    %dot_general3A = arith.constant dense<0.000000e+00> : vector<1000x128xf32>
    %dot_general3A_5 = tpu.matmul %get3A_1, %get3A_4, %dot_general3A {dimension_numbers = #tpu.dot_dimension_numbers<[1], [1], [0], [0], [0, 0, 1, 0], [], []>, transpose_lhs_hint = false} : vector<1000x128xf32>, vector<128x128xf32>, vector<1000x128xf32> -> vector<1000x128xf32>
    %get3A_6 = arith.constant 0 : index
    %get3A_7 = arith.constant 0 : index
    %get3A_8 = vector.load %arg3[%get3A_6, %get3A_7] : memref<1x128xf32, #tpu.memory_space<vmem>>, vector<1x128xf32>
    %add3A = vector.broadcast %get3A_8 : vector<1x128xf32> to vector<1000x128xf32>
    %add3A_9 = arith.addf %dot_general3A_5, %add3A : vector<1000x128xf32>
    %swap3A = arith.constant 0 : index
    %swap3A_10 = arith.constant 0 : index
    %swap3A_11 = vector.load %arg4[%swap3A, %swap3A_10] : memref<1000x128xf32, #tpu.memory_space<vmem>>, vector<1000x128xf32>
    tpu.vector_store %arg4[%swap3A, %swap3A_10], %add3A_9 {strides = array<i32>} : memref<1000x128xf32, #tpu.memory_space<vmem>>, vector<1000x128xf32>,
    return
  }
  func.func @transform_0(%arg0: i32) -> (i32, i32) {
    %c0_i32 = arith.constant 0 : i32
    %c0_i32_0 = arith.constant 0 : i32
    return %arg0, %c0_i32 : i32, i32
  }
  func.func @transform_1(%arg0: i32) -> (i32, i32) {
    %c0_i32 = arith.constant 0 : i32
    %c0_i32_0 = arith.constant 0 : i32
    %c0_i32_1 = arith.constant 0 : i32
    return %c0_i32, %c0_i32_0 : i32, i32
  }
  func.func @transform_2(%arg0: i32) -> (i32, i32) {
    %c0_i32 = arith.constant 0 : i32
    %c0_i32_0 = arith.constant 0 : i32
    %c0_i32_1 = arith.constant 0 : i32
    return %c0_i32, %c0_i32_0 : i32, i32
  }
  func.func @transform_3(%arg0: i32) -> (i32, i32) {
    %c0_i32 = arith.constant 0 : i32
    %c0_i32_0 = arith.constant 0 : i32
    return %arg0, %c0_i32 : i32, i32
  }
}

</mosaic_0001>

<sc_bundles>
// kernel: kernel.4.cloned.1.call-start
scs
__scs_entry_jumppad:
0x0: {  	(pc) =	sbr.rel $0x88, $3  }
0x1: {  	(tag) =	ssettag $0x0;
	lr =	simm.s32 $0x1  }
0x2: {  	[smem:$0x3F9D] =	sst lr;
	_ =	strace $0xD0000000  }
0x3: {  	_ = 	snop  }
0x4: {  	_ = 	snop  }
0x5: {  	_ = 	snop  }
0x6: {  	_ = 	snop  }
0x7: {  	_ = 	snop  }
__scs_overlays_trampoline_lowered:
0x8: {  	[smem:$0x3FAC] =	sst s0  }
0x9: {  	[smem:$0x3FAD] =	sst s1  }
0xa: {  	[smem:$0x3FAE] =	sst s2  }
0xb: {  	[smem:$0x3FAF] =	sst s3  }
0xc: {  	[smem:$0x3FB0] =	sst s4  }
0xd: {  	[smem:$0x3FB1] =	sst s5  }
0xe: {  	[smem:$0x3FB2] =	sst s6  }
0xf: {  	[smem:$0x3FB3] =	sst s7  }
0x10: {  	[smem:$0x3FB4] =	sst s8  }
0x11: {  	[smem:$0x3FB5] =	sst s9;
	s0 =	simm.s32 @!p0 $0x0  }
0x12: {  	s1 =	sld [smem:$0x3F9B];
	s0 =	simm.s32 @p0 $0x1  }
0x13: {  	[smem:$0x3FB6] =	sst s0;
	s0 =	simm.s32 @!p1 $0x0  }
0x14: {  	s2 =	sld [smem:$0x3F9A];
	s0 =	simm.s32 @p1 $0x1  }
0x15: {  	[smem:$0x3FB7] =	sst s0;
	s0 =	simm.s32 @!p2 $0x0  }
0x16: {  	s3 =	sld [smem:$0x3FDB];
	s0 =	simm.s32 @p2 $0x1  }
0x17: {  	s4 =	simm.s32 $0x1BF5;
	[smem:$0x3FB9] =	sst s0  }
0x18: {  	s0 =	sld [smem:$0x3F9C];
	_ =	swait.ge [sflag:s4], $0x0  }
0x19: {  	s7 =	sld [smem:$0x3F9D]  }
0x1a: {  	s8 =	sadd.s32 $0xFFFFE003, lr  }
0x1b: {  	s9 =	sadd.s32 $0xFFFFFEF7, lr;
	s5 =	simm.s32 $0xFFFFFFFF;
	p2 =	slt.u32 s8, $0xFFFFF086  }
0x1c: {  	p1 =	slt.u32 s9, $0xF7A;
	s5 =	simm.s32 @!p2 $0x0  }
0x1d: {  	s5 =	simm.s32 @p1 $0x1;
	p0 =	seq.s32 s7, s2  }
0x1e: {  	s7 =	smul.u32 @!p0 $0xF7A, s2;
	p2 =	seq.s32 @!p0 s5, $0x0  }
0x1f: {  	s9 =	smul.u32 $0xF7A, s1;
	s8 =	simm.s32 @!p0 $0x1BF5;
	p2 =	por !p2, p0  }
0x20: {  	[sflag:s8] =	ssyncset.s32 @!p0 $0xFFFFF086;
	s6 =	sadd.s32 @!p0 s3, s7;
	s7 =	simm.s32 @!p0 $0x108  }
0x21: {  	s3 =	sadd.s32 s3, s9;
	s6 =	sadd.s32 @!p0 $0x88, s6;
	s7 =	simm.s32 @p2 $0x1082  }
0x22: {  	[simem:s7], [sflag:s8] =	dma.local @!p0 [hbm:s6], $0xF7A  }
0x23: {  	s9 =	sor.u32 $0xD0000000, s2;
	s6 =	simm.s32 $0x108;
	_ =	swait.ge @!p0 [sflag:s8], $0x0  }
0x24: {  	s3 =	sadd.s32 $0x88, s3;
	s6 =	simm.s32 @!p1 $0x1082;
	[sflag:s4] =	ssyncset.s32 $0xFFFFF086  }
0x25: {  	[simem:s6], [sflag:s4] =	dma.local [hbm:s3], $0xF7A  }
0x26: {  	[smem:$0x3F9D] =	sst s1;
	(tag) =	ssettag s2;
	_ =	strace s9  }
0x27: {  	s1 =	sld [smem:$0x3FAD]  }
0x28: {  	s2 =	sld [smem:$0x3FAE]  }
0x29: {  	s4 =	sld [smem:$0x3FB0]  }
0x2a: {  	p0 =	seq.s32 s5, $0x0;
	s5 =	sld [smem:$0x3FB1]  }
0x2b: {  	s6 =	sld [smem:$0x3FB2]  }
0x2c: {  	s7 =	sld [smem:$0x3FB3]  }
0x2d: {  	s3 =	simm.s32 $0x108;
	s8 =	sld [smem:$0x3FB4]  }
0x2e: {  	s3 =	simm.s32 @!p0 $0x1082;
	s9 =	sld [smem:$0x3FB5]  }
0x2f: {  	lr =	sadd.s32 s0, s3;
	s0 =	sld [smem:$0x3FAC]  }
0x30: {  	s3 =	sld [smem:$0x3FAF]  }
0x31: {  	[smem:$0x3FB8] =	sst s10  }
0x32: {  	s10 =	sld [smem:$0x3FB6];
	_ =	sdelay $0x3  }
0x33: {  	p0 =	seq.s32 s10, $0x1;
	s10 =	sld [smem:$0x3FB8];
	_ =	sdelay $0x3  }
0x34: {  	[smem:$0x3FB8] =	sst s10  }
0x35: {  	s10 =	sld [smem:$0x3FB7];
	_ =	sdelay $0x3  }
0x36: {  	p1 =	seq.s32 s10, $0x1;
	s10 =	sld [smem:$0x3FB8];
	_ =	sdelay $0x3  }
0x37: {  	[smem:$0x3FB8] =	sst s10  }
0x38: {  	s10 =	sld [smem:$0x3FB9]  }
0x39: {  	_ = 	snop;
	(pc) =	sbr.ind lr, $3  }
0x3a: {  	_ = 	snop  }
0x3b: {  	_ = 	snop  }
0x3c: {  	p2 =	seq.s32 s10, $0x1;
	s10 =	sld [smem:$0x3FB8]  }
0x3d: {  	_ =	shalt  }
0x3e: {  	_ =	shalt  }
0x3f: {  	_ =	shalt  }
0x40: {  	_ =	shalt  }
0x41: {  	_ =	shalt  }
0x42: {  	_ =	shalt  }
0x43: {  	_ =	shalt  }
0x44: {  	_ =	shalt  }
0x45: {  	_ =	shalt  }
0x46: {  	_ =	shalt  }
0x47: {  	_ =	shalt  }
0x48: {  	_ =	shalt  }
0x49: {  	_ =	shalt  }
0x4a: {  	_ =	shalt  }
0x4b: {  	_ =	shalt  }
0x4c: {  	_ =	shalt  }
0x4d: {  	_ =	shalt  }
0x4e: {  	_ =	shalt  }
0x4f: {  	_ =	shalt  }
0x50: {  	_ =	shalt  }
0x51: {  	_ =	shalt  }
0x52: {  	_ =	shalt  }
0x53: {  	_ =	shalt  }
0x54: {  	_ =	shalt  }
0x55: {  	_ =	shalt  }
0x56: {  	_ =	shalt  }
0x57: {  	_ =	shalt  }
0x58: {  	_ =	shalt  }
0x59: {  	_ =	shalt  }
0x5a: {  	_ =	shalt  }
0x5b: {  	_ =	shalt  }
0x5c: {  	_ =	shalt  }
0x5d: {  	_ =	shalt  }
0x5e: {  	_ =	shalt  }
0x5f: {  	_ =	shalt  }
0x60: {  	_ =	shalt  }
0x61: {  	_ =	shalt  }
0x62: {  	_ =	shalt  }
0x63: {  	_ =	shalt  }
0x64: {  	_ =	shalt  }
0x65: {  	_ =	shalt  }
0x66: {  	_ =	shalt  }
0x67: {  	_ =	shalt  }
0x68: {  	_ =	shalt  }
0x69: {  	_ =	shalt  }
0x6a: {  	_ =	shalt  }
0x6b: {  	_ =	shalt  }
0x6c: {  	_ =	shalt  }
0x6d: {  	_ =	shalt  }
0x6e: {  	_ =	shalt  }
0x6f: {  	_ =	shalt  }
0x70: {  	_ =	shalt  }
0x71: {  	_ =	shalt  }
0x72: {  	_ =	shalt  }
0x73: {  	_ =	shalt  }
0x74: {  	_ =	shalt  }
0x75: {  	_ =	shalt  }
0x76: {  	_ =	shalt  }
0x77: {  	_ =	shalt  }
0x78: {  	_ =	shalt  }
0x79: {  	_ =	shalt  }
0x7a: {  	_ =	shalt  }
0x7b: {  	_ =	shalt  }
0x7c: {  	_ =	shalt  }
0x7d: {  	_ =	shalt  }
0x7e: {  	_ =	shalt  }
0x7f: {  	_ =	shalt  }
0x80: {  	_ =	shalt  }
0x81: {  	_ =	shalt  }
0x82: {  	_ =	shalt  }
0x83: {  	_ =	shalt  }
0x84: {  	_ =	shalt  }
0x85: {  	_ =	shalt  }
0x86: {  	_ =	shalt  }
0x87: {  	_ =	shalt  }
.Lfunc_end0:
.L_simem_size_0:
called_computation_lowered:
.L_overlay_start_0:
0x88: {  	s2 =	sld [smem:$0x3FD9]  }
0x89: {  	s3 =	sld [smem:$0x3FFE];
	_ =	sdelay $0x1  }
0x8a: {  	s1 =	srdreg.scid  }
0x8b: {  	s0 =	sand.u32 $0x1, s1  }
0x8c: {  	s17 =	sshll.u32 s0, $0xA;
	s2 =	sadd.s32 s3, s2  }
0x8d: {  	s2 =	sadd.s32 s2, s17  }
0x8e: {  	[smem:$0x3FC4] =	sst s2  }
0x8f: {  	_ = 	snop  }
0x90: {  	s2 =	sld [smem:$0x3FD0];
	(tm) =	ssettm $0x1  }
0x91: {  	s18 =	sld [smem:$0x3FFB];
	_ =	sdelay $0x3  }
0x92: {  	_ =	strace s18  }
0x93: {  	s3 =	sld [smem:$0x3FFC];
	_ =	sdelay $0x3  }
0x94: {  	_ =	strace s3  }
0x95: {  	s3 =	sld [smem:$0x3FFD];
	_ =	sdelay $0x3  }
0x96: {  	_ =	strace s3  }
0x97: {  	_ =	strace $0x8FFFFFFF  }
0x98: {  	s19 =	sld [smem:$0x3FDB];
	_ =	sdelay $0x1  }
0x99: {  	s4 =	simm.s32 $_scs_section_size  }
0x9a: {  	s5 =	simm.s32 $_size__tile_overlayer_lowered;
	s6 =	simm.s32 $_tile_overlayer_lowered  }
0x9b: {  	s22 =	simm.s32 $0x1BFF;
	s21 =	sshll.u32 s6, $0x1;
	s3 =	sadd.s32 s4, s19  }
0x9c: {  	s7 =	simm.s32 $0x0;
	s20 =	sshll.u32 s5, $0x1;
	s5 =	sadd.s32 s21, s3  }
0x9d: {  	[timem:s7], [sflag:s22] =	dma.local [hbm:s5], s20  }
0x9e: {  	_ =	swait.ge [sflag:s22], s20  }
0x9f: {  	s4 =	ssub.s32 $0x0, s20;
	[sflag:s22] =	ssyncset.done $0x0  }
0xa0: {  	[sflag:s22] =	ssyncadd.s32 s4;
	_ =	sdelay $0x1  }
0xa1: {  	s23 =	simm.s32 $0x1B8B  }
0xa2: {  	_ =	swait.ge [sflag:s23], $0x1  }
0xa3: {  	[sflag:s23] =	ssyncset.done $0x0  }
0xa4: {  	s25 =	simm.s32 $0x1B8E;
	s24 =	sld [smem:$0x3FFE];
	[sflag:s23] =	ssyncadd.s32 $0xFFFFFFFF  }
0xa5: {  	s26 =	simm.s32 $execute0_lowered;
	[smem:$0x3FD2] =	sst s25  }
0xa6: {  	s5 =	sshll.u32 s26, $0x1;
	_ =	strace $0x80000046;
	[dreg:$0x1] =	wrdreg $0xFFFFFFFF  }
0xa7: {  	s28 =	simm.s32 $_size_execute0_lowered;
	s3 =	sadd.s32 s3, s5;
	[dreg:$0x0] =	wrdreg $0x0  }
0xa8: {  	s5 =	sshll.u32 s28, $0x1;
	[dreg:$0x2] =	wrdreg s3  }
0xa9: {  	[dreg:$0x3] =	wrdreg s5  }
0xaa: {  	[dreg:$0x4] =	wrdreg $0xC0  }
0xab: {  	_ =	task [dreg:s7], $0x5FFFF  }
0xac: {  	[dreg:$0x1] =	wrdreg $0xFFFFFFFF  }
0xad: {  	[dreg:$0x0] =	wrdreg $0x60  }
0xae: {  	[dreg:$0x2] =	wrdreg s2  }
0xaf: {  	[dreg:$0x3] =	wrdreg s24  }
0xb0: {  	[dreg:$0x4] =	wrdreg $0x9  }
0xb1: {  	_ =	task.clear_ibuf [dreg:s7], $0x5FFFF;
	_ =	strace $0x90000046  }
0xb2: {  	s29 =	simm.s32 $0x9;
	_ =	strace $0x80000048  }
0xb3: {  	_ =	swait.ge [sflag:s29], $0x1  }
0xb4: {  	[sflag:s29] =	ssyncadd.s32 $0xFFFFFFFF  }
0xb5: {  	_ =	strace $0x90000048  }
0xb6: {  	_ =	sfence  }
0xb7: {  	s30 =	sld [smem:$0x0];
	_ =	sdelay $0x2  }
0xb8: {  	s31 =	sshll.u32 s1, $0xD;
	s1 =	sshrl.u32 s1, $0x2  }
0xb9: {  	s3 =	sand.u32 $0x4000, s31;
	s1 =	sadd.s32 s1, s30  }
0xba: {  	s0 =	sor.u32 s3, s0;
	s1 =	sshll.u32 s1, $0x11  }
0xbb: {  	s0 =	sor.u32 s1, s0  }
0xbc: {  	s0 =	sadd.s32 $0x8F2B, s0  }
0xbd: {  	[sflag:s0] =	ssyncadd.remote.s32 $0x1  }
0xbe: {  	_ =	sfence.sel $0xFFFF  }
0xbf: {  	[dreg:$0x0] =	wrdreg $0xFFFFFFFF;
	(pc) =	sbr.abs _section_cstart, $3  }
0xc0: {  	[dreg:$0x1] =	wrdreg $0xFFFFFFFF  }
0xc1: {  	_ =	task.clear_ibuf [dreg:s7], $0x2FFFF;
	_ =	strace $0x9FFFFFFF  }
0xc2: {  	(tm) =	ssettm $0x7FFFFFFF  }
0xc3: {  	_ =	shalt  }
tec
execute0_lowered:
.L_overlay_start_1:
0x0: {  	(tag) =	ssettag $0x1  }
0x1: {  	s2 =	rddreg [dreg:$0x0]  }
0x2: {  	s0 =	rddreg [dreg:$0x1]  }
0x3: {  	s1 =	srdreg.scid;
	s7 =	stileid.u32  }
0x4: {  	s4 =	simm.s32 $0x0;
	s11 =	simm.s32 $0x9;
	s12 =	simm.s32 $0x64  }
0x5: {  	s13 =	simm.s32 $0x2000;
	s15 =	simm.s32 $0x5200;
	s17 =	simm.s32 $0x8400  }
0x6: {  	s19 =	simm.s32 $0xB600;
	s21 =	simm.s32 $0xE800;
	s23 =	simm.s32 $0x11A00  }
0x7: {  	s28 =	simm.s32 $0x17E00;
	s29 =	simm.s32 $0x1;
	s30 =	simm.s32 $0x1900  }
0x8: {  	s31 =	simm.s32 $0x1C00;
	s14 =	simm.s32 $0x4;
	s16 =	simm.s32 $0x5  }
0x9: {  	s18 =	simm.s32 $0x6;
	s20 =	simm.s32 $0x7;
	s22 =	simm.s32 $0x8  }
0xa: {  	s1 =	sand.u32 $0x1, s1;
	s3 =	sshll.u32 s7, $0x1;
	[smem:$0x7FF] =	sst s4  }
0xb: {  	s25 =	smul.u32 $0x38000, s7;
	s3 =	sor.u32 s1, s3;
	s5 =	ssub.s32 $0x2, s1  }
0xc: {  	_ =	strace $0x80000047;
	s1 =	smul.u32 $0x1C000, s1;
	s24 =	sshll.u32 s3, $0xA  }
0xd: {  	s3 =	smul.u32 $0xE0000, s3;
	s6 =	sshrl.u32 s5, $0x1;
	s4 =	sadd.s32 s24, s0  }
0xe: {  	s0 =	sadd.s32 $0x8C00, s0;
	s9 =	ssub.s32 s5, s6;
	s24 =	simm.s32 $0x0  }
0xf: {  	s3 =	sshrl.u32 s3, $0x3;
	s4 =	sadd.s32 $0xC00, s4;
	s9 =	smax.u32 s9, $0x1  }
0x10: {  	[dreg:$0x3] =	wrdreg s4;
	s3 =	sadd.s32 s0, s3;
	s0 =	sadd.s32 s25, s0  }
0x11: {  	s25 =	simm.s32 $0x14C00;
	s26 =	sadd.s32 $0x18800, s3;
	s6 =	sadd.s32 $0x19600, s3  }
0x12: {  	s7 =	sadd.s32 $0x1A400, s3;
	s8 =	sadd.s32 $0x1B200, s3;
	s10 =	sadd.s32 s1, s0  }
0x13: {  	s0 =	simm.s32 $0x2;
	s1 =	simm.s32 $0x3;
	[dreg:$0x4] =	wrdreg s26  }
.LBB2_1:
0x14: {  	s3 =	simm.s32 $0x0;
	s4 =	rddreg [dreg:$0x3]  }
0x15: {  	[tilespmem:s3], [sflag:$0x9] =	stream.linear.gather [hbm4b:s4+s3], $0x2000, $0x38;
	[tilespmem:$0x1B000] =	vst v63  }
0x16: {  	_ =	swait.ge [sflag:s11], $0x2000  }
0x17: {  	[sflag:s11] =	ssyncset.done $0x0  }
0x18: {  	[sflag:s11] =	ssyncadd.s32 $0xFFFFE000  }
0x19: {  	[tilespmem:s13], [sflag:$0x1] =	stream.indirect.gather [hbm4b:s2+s12], $0x80, s3, s12, $0xb8;
	[tilespmem:$0x1B000] =	vst v63  }
0x1a: {  	s5 =	simm.s32 $0x80  }
0x1b: {  	[tilespmem:s15], [sflag:$0x1] =	stream.indirect.gather [hbm4b:s2+s12], $0x80, s5, s12, $0xb8;
	[tilespmem:$0x1B000] =	vst v63  }
0x1c: {  	s26 =	simm.s32 $0x100  }
0x1d: {  	[tilespmem:s17], [sflag:$0x2] =	stream.indirect.gather [hbm4b:s2+s12], $0x80, s26, s12, $0xb8;
	[tilespmem:$0x1B000] =	vst v63  }
0x1e: {  	s4 =	simm.s32 $0x180  }
0x1f: {  	[tilespmem:s19], [sflag:$0x2] =	stream.indirect.gather [hbm4b:s2+s12], $0x80, s4, s12, $0xb8;
	[tilespmem:$0x1B000] =	vst v63  }
0x20: {  	s5 =	simm.s32 $0x200  }
0x21: {  	[tilespmem:s21], [sflag:$0x3] =	stream.indirect.gather [hbm4b:s2+s12], $0x80, s5, s12, $0xb8;
	[tilespmem:$0x1B000] =	vst v63  }
0x22: {  	s26 =	simm.s32 $0x280  }
0x23: {  	[tilespmem:s23], [sflag:$0x3] =	stream.indirect.gather [hbm4b:s2+s12], $0x80, s26, s12, $0xb8;
	[tilespmem:$0x1B000] =	vst v63  }
0x24: {  	s4 =	simm.s32 $0x300  }
0x25: {  	[tilespmem:s25], [sflag:$0x4] =	stream.indirect.gather [hbm4b:s2+s12], $0x80, s4, s12, $0xb8;
	[tilespmem:$0x1B000] =	vst v63  }
0x26: {  	s5 =	simm.s32 $0x380  }
0x27: {  	[tilespmem:s28], [sflag:$0x4] =	stream.indirect.gather [hbm4b:s2+s12], $0x80, s5, s12, $0xb8;
	[tilespmem:$0x1B000] =	vst v63  }
0x28: {  	_ =	swait.ge [sflag:s29], $0x6400  }
0x29: {  	[sflag:s29] =	ssyncset.done $0x0  }
0x2a: {  	[sflag:s29] =	ssyncadd.s32 $0xFFFF9C00  }
0x2b: {  	[hbm4b:s10+s30] =	stream.strided.scatter [tilespmem:s13], [sflag:$0x5], $0x6400, s31, s30, $0x38;
	[tilespmem:$0x1B000] =	vst v63  }
0x2c: {  	_ =	swait.ge [sflag:s0], $0x6400  }
0x2d: {  	[sflag:s0] =	ssyncset.done $0x0  }
0x2e: {  	s26 =	sadd.s32 $0xE00, s10;
	[sflag:s0] =	ssyncadd.s32 $0xFFFF9C00  }
0x2f: {  	[hbm4b:s26+s30] =	stream.strided.scatter [tilespmem:s17], [sflag:$0x6], $0x6400, s31, s30, $0x38;
	[tilespmem:$0x1B000] =	vst v63  }
0x30: {  	_ =	swait.ge [sflag:s1], $0x6400  }
0x31: {  	[sflag:s1] =	ssyncset.done $0x0  }
0x32: {  	s4 =	sadd.s32 $0x1C00, s10;
	[sflag:s1] =	ssyncadd.s32 $0xFFFF9C00  }
0x33: {  	[hbm4b:s4+s30] =	stream.strided.scatter [tilespmem:s21], [sflag:$0x7], $0x6400, s31, s30, $0x38;
	[tilespmem:$0x1B000] =	vst v63  }
0x34: {  	_ =	swait.ge [sflag:s14], $0x6400  }
0x35: {  	[sflag:s14] =	ssyncset.done $0x0  }
0x36: {  	s5 =	sadd.s32 $0x2A00, s10;
	[sflag:s14] =	ssyncadd.s32 $0xFFFF9C00  }
0x37: {  	[hbm4b:s5+s30] =	stream.strided.scatter [tilespmem:s25], [sflag:$0x8], $0x6400, s31, s30, $0x38;
	[tilespmem:$0x1B000] =	vst v63  }
0x38: {  	_ =	swait.ge [sflag:s16], $0x6400  }
0x39: {  	[sflag:s16] =	ssyncset.done $0x0  }
0x3a: {  	s26 =	simm.s32 $0x400;
	[sflag:s16] =	ssyncadd.s32 $0xFFFF9C00  }
0x3b: {  	[tilespmem:s13], [sflag:$0x1] =	stream.indirect.gather [hbm4b:s2+s12], $0x80, s26, s12, $0xb8;
	[tilespmem:$0x1B000] =	vst v63  }
0x3c: {  	s4 =	simm.s32 $0x480  }
0x3d: {  	[tilespmem:s15], [sflag:$0x1] =	stream.indirect.gather [hbm4b:s2+s12], $0x80, s4, s12, $0xb8;
	[tilespmem:$0x1B000] =	vst v63  }
0x3e: {  	_ =	swait.ge [sflag:s18], $0x6400  }
0x3f: {  	[sflag:s18] =	ssyncset.done $0x0  }
0x40: {  	s5 =	simm.s32 $0x500;
	[sflag:s18] =	ssyncadd.s32 $0xFFFF9C00  }
0x41: {  	[tilespmem:s17], [sflag:$0x2] =	stream.indirect.gather [hbm4b:s2+s12], $0x80, s5, s12, $0xb8;
	[tilespmem:$0x1B000] =	vst v63  }
0x42: {  	s26 =	simm.s32 $0x580  }
0x43: {  	[tilespmem:s19], [sflag:$0x2] =	stream.indirect.gather [hbm4b:s2+s12], $0x80, s26, s12, $0xb8;
	[tilespmem:$0x1B000] =	vst v63  }
0x44: {  	_ =	swait.ge [sflag:s20], $0x6400  }
0x45: {  	[sflag:s20] =	ssyncset.done $0x0  }
0x46: {  	s4 =	simm.s32 $0x600;
	[sflag:s20] =	ssyncadd.s32 $0xFFFF9C00  }
0x47: {  	[tilespmem:s21], [sflag:$0x3] =	stream.indirect.gather [hbm4b:s2+s12], $0x80, s4, s12, $0xb8;
	[tilespmem:$0x1B000] =	vst v63  }
0x48: {  	s5 =	simm.s32 $0x680  }
0x49: {  	[tilespmem:s23], [sflag:$0x3] =	stream.indirect.gather [hbm4b:s2+s12], $0x80, s5, s12, $0xb8;
	[tilespmem:$0x1B000] =	vst v63  }
0x4a: {  	_ =	swait.ge [sflag:s22], $0x6400  }
0x4b: {  	[sflag:s22] =	ssyncset.done $0x0  }
0x4c: {  	s26 =	simm.s32 $0x700;
	[sflag:s22] =	ssyncadd.s32 $0xFFFF9C00  }
0x4d: {  	[tilespmem:s25], [sflag:$0x4] =	stream.indirect.gather [hbm4b:s2+s12], $0x80, s26, s12, $0xb8;
	[tilespmem:$0x1B000] =	vst v63  }
0x4e: {  	s3 =	sadd.s32 $0x3800, s10;
	s4 =	simm.s32 $0x780;
	s26 =	simm.s32 $0x1000  }
.LBB2_2:
0x4f: {  	[tilespmem:s28], [sflag:$0x4] =	stream.indirect.gather [hbm4b:s2+s12], $0x80, s4, s12, $0xb8;
	[tilespmem:$0x1B000] =	vst v63  }
0x50: {  	s4 =	smov.u32 s26  }
0x51: {  	p0 =	sne.s32 s26, $0x6000;
	s26 =	sadd.s32 $0x1000, s26;
	_ =	swait.ge [sflag:s29], $0x6400  }
0x52: {  	[sflag:s29] =	ssyncset.done $0x0  }
0x53: {  	[sflag:s29] =	ssyncadd.s32 $0xFFFF9C00  }
0x54: {  	[hbm4b:s3+s30] =	stream.strided.scatter [tilespmem:s13], [sflag:$0x5], $0x6400, s31, s30, $0x38;
	[tilespmem:$0x1B000] =	vst v63  }
0x55: {  	_ =	swait.ge [sflag:s0], $0x6400  }
0x56: {  	[sflag:s0] =	ssyncset.done $0x0  }
0x57: {  	s5 =	sadd.s32 $0xE00, s3;
	[sflag:s0] =	ssyncadd.s32 $0xFFFF9C00  }
0x58: {  	[hbm4b:s5+s30] =	stream.strided.scatter [tilespmem:s17], [sflag:$0x6], $0x6400, s31, s30, $0x38;
	[tilespmem:$0x1B000] =	vst v63  }
0x59: {  	_ =	swait.ge [sflag:s1], $0x6400  }
0x5a: {  	[sflag:s1] =	ssyncset.done $0x0  }
0x5b: {  	s5 =	sadd.s32 $0x1C00, s3;
	[sflag:s1] =	ssyncadd.s32 $0xFFFF9C00  }
0x5c: {  	[hbm4b:s5+s30] =	stream.strided.scatter [tilespmem:s21], [sflag:$0x7], $0x6400, s31, s30, $0x38;
	[tilespmem:$0x1B000] =	vst v63  }
0x5d: {  	_ =	swait.ge [sflag:s14], $0x6400  }
0x5e: {  	[sflag:s14] =	ssyncset.done $0x0  }
0x5f: {  	s5 =	sadd.s32 $0x2A00, s3;
	[sflag:s14] =	ssyncadd.s32 $0xFFFF9C00  }
0x60: {  	[hbm4b:s5+s30] =	stream.strided.scatter [tilespmem:s25], [sflag:$0x8], $0x6400, s31, s30, $0x38;
	[tilespmem:$0x1B000] =	vst v63  }
0x61: {  	_ =	swait.ge [sflag:s16], $0x6400  }
0x62: {  	s4 =	sshra.s32 s4, $0x2;
	[sflag:s16] =	ssyncset.done $0x0  }
0x63: {  	s5 =	sadd.s32 $0x400, s4;
	[sflag:s16] =	ssyncadd.s32 $0xFFFF9C00  }
0x64: {  	[tilespmem:s13], [sflag:$0x1] =	stream.indirect.gather [hbm4b:s2+s12], $0x80, s5, s12, $0xb8;
	[tilespmem:$0x1B000] =	vst v63  }
0x65: {  	s5 =	sadd.s32 $0x480, s4  }
0x66: {  	[tilespmem:s15], [sflag:$0x1] =	stream.indirect.gather [hbm4b:s2+s12], $0x80, s5, s12, $0xb8;
	[tilespmem:$0x1B000] =	vst v63  }
0x67: {  	_ =	swait.ge [sflag:s18], $0x6400  }
0x68: {  	[sflag:s18] =	ssyncset.done $0x0  }
0x69: {  	s5 =	sadd.s32 $0x500, s4;
	[sflag:s18] =	ssyncadd.s32 $0xFFFF9C00  }
0x6a: {  	[tilespmem:s17], [sflag:$0x2] =	stream.indirect.gather [hbm4b:s2+s12], $0x80, s5, s12, $0xb8;
	[tilespmem:$0x1B000] =	vst v63  }
0x6b: {  	s5 =	sadd.s32 $0x580, s4  }
0x6c: {  	[tilespmem:s19], [sflag:$0x2] =	stream.indirect.gather [hbm4b:s2+s12], $0x80, s5, s12, $0xb8;
	[tilespmem:$0x1B000] =	vst v63  }
0x6d: {  	_ =	swait.ge [sflag:s20], $0x6400  }
0x6e: {  	[sflag:s20] =	ssyncset.done $0x0  }
0x6f: {  	s5 =	sadd.s32 $0x600, s4;
	[sflag:s20] =	ssyncadd.s32 $0xFFFF9C00  }
0x70: {  	[tilespmem:s21], [sflag:$0x3] =	stream.indirect.gather [hbm4b:s2+s12], $0x80, s5, s12, $0xb8;
	[tilespmem:$0x1B000] =	vst v63  }
0x71: {  	s5 =	sadd.s32 $0x680, s4  }
0x72: {  	[tilespmem:s23], [sflag:$0x3] =	stream.indirect.gather [hbm4b:s2+s12], $0x80, s5, s12, $0xb8;
	[tilespmem:$0x1B000] =	vst v63  }
.Ltmp0:
0x73: {  	_ =	swait.ge [sflag:s22], $0x6400;
	(pc) =	sbr.rel @p0 .LBB2_2-.Ltmp0, $4  }
0x74: {  	[sflag:s22] =	ssyncset.done $0x0  }
0x75: {  	s5 =	sadd.s32 $0x700, s4;
	[sflag:s22] =	ssyncadd.s32 $0xFFFF9C00  }
0x76: {  	[tilespmem:s25], [sflag:$0x4] =	stream.indirect.gather [hbm4b:s2+s12], $0x80, s5, s12, $0xb8;
	[tilespmem:$0x1B000] =	vst v63  }
0x77: {  	s3 =	sadd.s32 $0x3800, s3;
	s4 =	sadd.s32 $0x780, s4  }
0x78: {  	[tilespmem:s28], [sflag:$0x4] =	stream.indirect.gather [hbm4b:s2+s12], $0x80, s4, s12, $0xb8;
	[tilespmem:$0x1B000] =	vst v63  }
0x79: {  	_ =	swait.ge [sflag:s29], $0x6400  }
0x7a: {  	[sflag:s29] =	ssyncset.done $0x0  }
0x7b: {  	s3 =	rddreg [dreg:$0x4];
	[sflag:s29] =	ssyncadd.s32 $0xFFFF9C00  }
0x7c: {  	[hbm4b:s3+s30] =	stream.strided.scatter [tilespmem:s13], [sflag:$0x5], $0x6400, s31, s30, $0x38;
	[tilespmem:$0x1B000] =	vst v63  }
0x7d: {  	_ =	swait.ge [sflag:s0], $0x6400  }
0x7e: {  	[sflag:s0] =	ssyncset.done $0x0  }
0x7f: {  	[sflag:s0] =	ssyncadd.s32 $0xFFFF9C00  }
0x80: {  	[hbm4b:s6+s30] =	stream.strided.scatter [tilespmem:s17], [sflag:$0x6], $0x6400, s31, s30, $0x38;
	[tilespmem:$0x1B000] =	vst v63  }
0x81: {  	_ =	swait.ge [sflag:s1], $0x6400  }
0x82: {  	[sflag:s1] =	ssyncset.done $0x0  }
0x83: {  	[sflag:s1] =	ssyncadd.s32 $0xFFFF9C00  }
0x84: {  	[hbm4b:s7+s30] =	stream.strided.scatter [tilespmem:s21], [sflag:$0x7], $0x6400, s31, s30, $0x38;
	[tilespmem:$0x1B000] =	vst v63  }
0x85: {  	_ =	swait.ge [sflag:s14], $0x6400  }
0x86: {  	[sflag:s14] =	ssyncset.done $0x0  }
0x87: {  	[sflag:s14] =	ssyncadd.s32 $0xFFFF9C00  }
0x88: {  	[hbm4b:s8+s30] =	stream.strided.scatter [tilespmem:s25], [sflag:$0x8], $0x6400, s31, s30, $0x38;
	[tilespmem:$0x1B000] =	vst v63  }
0x89: {  	_ =	swait.ge [sflag:s16], $0x6400  }
0x8a: {  	[sflag:s16] =	ssyncset.done $0x0  }
0x8b: {  	[sflag:s16] =	ssyncadd.s32 $0xFFFF9C00  }
0x8c: {  	_ =	swait.ge [sflag:s18], $0x6400  }
0x8d: {  	[sflag:s18] =	ssyncset.done $0x0  }
0x8e: {  	s24 =	sadd.s32 $0x1, s24;
	[sflag:s18] =	ssyncadd.s32 $0xFFFF9C00  }
0x8f: {  	p0 =	sne.s32 s24, s9;
	_ =	swait.ge [sflag:s20], $0x6400  }
.Ltmp1:
0x90: {  	[sflag:s20] =	ssyncset.done $0x0;
	(pc) =	sbr.rel @p0 .LBB2_1-.Ltmp1, $4  }
0x91: {  	[sflag:s20] =	ssyncadd.s32 $0xFFFF9C00  }
0x92: {  	_ =	swait.ge [sflag:s22], $0x6400  }
0x93: {  	[sflag:s22] =	ssyncset.done $0x0  }
0x94: {  	[sflag:s22] =	ssyncadd.s32 $0xFFFF9C00  }
0x95: {  	_ =	sfence.sel $0x180000  }
0x96: {  	[bflag:$0x0] =	sbarrier.arrive $0xFFFF  }
0x97: {  	_ =	strace $0x90000047  }
0x98: {  	s0 =	stileid.u32;
	[bflag:$0x2] =	sbarrier.arrive $0xFFFF  }
0x99: {  	p0 =	sne.s32 s0, $0x0;
	s0 =	rddreg [dreg:$0x2]  }
0x9a: {  	s0 =	sadd.s32 @!p0 $0x100000, s0  }
0x9b: {  	[sflag:s0] =	ssyncadd.tile.s32 @!p0 $0x1;
	_ =	shalt  }
.Lfunc_end2:
_tile_overlayer_lowered:
.L_overlay_start_2:
0x9c: {  	(tag) =	ssettag $0x2  }
0x9d: {  	s0 =	rddreg [dreg:$0x0];
	s2 =	stileid.u32  }
0x9e: {  	s1 =	rddreg [dreg:$0x1];
	p0 =	sne.s32 s2, $0x0  }
0x9f: {  	s3 =	rddreg [dreg:$0x2];
	[bflag:$0x3] =	sbarrier.arrive $0xFFFF;
	s2 =	simm.s32 @!p0 $0x1C09  }
0xa0: {  	[timem:s3], [sflag:s2] =	dma.local @!p0 [hbm:s0], s1  }
0xa1: {  	s0 =	simm.s32 @!p0 $0x9  }
0xa2: {  	_ =	swait.ge @!p0 [sflag:s0], s1  }
0xa3: {  	s1 =	ssub.s32 @!p0 $0x0, s1;
	[sflag:s0] =	ssyncset.done @!p0 $0x0  }
0xa4: {  	[sflag:s0] =	ssyncadd.s32 @!p0 s1  }
0xa5: {  	[bflag:$0x3] =	sbarrier.arrive $0xFFFF  }
0xa6: {  	_ =	shalt  }

</sc_bundles>
